<compile_context>
chip_gen: v7x
topology: tpu7x:2x2x1
jax: 0.10.2.dev20260603
libtpu: 0.0.44.dev20260713+nightly
codegen_flags: <defaults>
</compile_context>

<pallas_src>
import jax
import jax.numpy as jnp
from jax import lax
from jax.experimental import pallas as pl
from jax.experimental.pallas import tpu as pltpu
from jax.experimental.pallas import tpu_sc as plsc

NUM_TIMES = 16
NUM_USERS = 2048
NUM_SERVICES = 1024
BATCH = 8192
K_TOP = 50
K_PAD = 56
SENTINEL = 1.0e38
VALID_CUT = 1.0e30

NC = 2
NS = 16
L = 16
NW = NC * NS
QPW = BATCH // NW
NB = QPW // L



_TOPK_BLK = 256


def _topk_body(sim_ref, tv_ref, ti_ref, work_ref):
    work_ref[...] = sim_ref[...]
    tv_ref[...] = jnp.zeros(tv_ref.shape, tv_ref.dtype)
    ti_ref[...] = jnp.zeros(ti_ref.shape, ti_ref.dtype)
    iota = lax.broadcasted_iota(jnp.int32, (_TOPK_BLK, NUM_USERS), 1)

    for it in range(K_TOP):
        w = work_ref[...]
        m = jnp.max(w, axis=1, keepdims=True)
        im = jnp.min(
            jnp.where(w == m, iota, jnp.int32(1 << 30)), axis=1, keepdims=True
        )
        tv_ref[:, it : it + 1] = m
        ti_ref[:, it : it + 1] = im
        work_ref[...] = jnp.where(iota == im, -jnp.inf, w)


def _topk_per_user(user_sim):
    grid = NUM_USERS // _TOPK_BLK
    tv, ti = pl.pallas_call(
        _topk_body,
        grid=(grid,),
        in_specs=[pl.BlockSpec((_TOPK_BLK, NUM_USERS), lambda i: (i, 0))],
        out_specs=[
            pl.BlockSpec((_TOPK_BLK, K_PAD), lambda i: (i, 0)),
            pl.BlockSpec((_TOPK_BLK, K_PAD), lambda i: (i, 0)),
        ],
        out_shape=[
            jax.ShapeDtypeStruct((NUM_USERS, K_PAD), jnp.float32),
            jax.ShapeDtypeStruct((NUM_USERS, K_PAD), jnp.int32),
        ],
        scratch_shapes=[pltpu.VMEM((_TOPK_BLK, NUM_USERS), jnp.float32)],
    )(user_sim)
    return tv, ti




def _sc_agg_body(
    t_hbm, u_hbm, s_hbm, tv_hbm, ti_hbm, p_hbm, avg_hbm,
    out_hbm,
    u_v, s_v, t_v, bidx_v, stv, base_v, nidx, fidx, tib, tvb, pq, outb,
    sem_b, sem_ti, sem_tv, sem_p,
):

    wid = lax.axis_index("s") * NC + lax.axis_index("c")
    q0 = wid * QPW

    pltpu.sync_copy(u_hbm.at[pl.ds(q0, QPW)], u_v)
    pltpu.sync_copy(s_hbm.at[pl.ds(q0, QPW)], s_v)
    pltpu.sync_copy(t_hbm.at[pl.ds(q0, QPW)], t_v)

    def prep_blk(b, _):
        s16 = s_v[pl.ds(b * L, L)]
        t16 = t_v[pl.ds(b * L, L)]
        u16 = u_v[pl.ds(b * L, L)]
        bidx_v[pl.ds(b * L, L)] = u16 * NUM_SERVICES + s16
        stv[pl.ds(b * L, L)] = t16 * NUM_SERVICES + s16
        return 0

    lax.fori_loop(0, NB, prep_blk, 0)

    c_b = pltpu.async_copy(avg_hbm.at[bidx_v], base_v, sem_b)

    def nidx_blk(b, _):
        u16 = u_v[pl.ds(b * L, L)] * K_PAD

        def nidx_k(k, _):
            nidx[pl.ds(k * QPW + b * L, L)] = u16 + k
            return 0

        lax.fori_loop(0, K_PAD, nidx_k, 0)
        return 0

    lax.fori_loop(0, NB, nidx_blk, 0)

    c_ti = pltpu.async_copy(ti_hbm.at[nidx], tib, sem_ti)
    c_tv = pltpu.async_copy(tv_hbm.at[nidx], tvb, sem_tv)
    c_ti.wait()

    def fidx_blk(b, _):
        st16 = stv[pl.ds(b * L, L)]

        def fidx_k(k, _):
            off = k * QPW + b * L
            fidx[pl.ds(off, L)] = (
                tib[pl.ds(off, L)] * (NUM_SERVICES * NUM_TIMES) + st16
            )
            return 0

        lax.fori_loop(0, K_PAD, fidx_k, 0)
        return 0

    lax.fori_loop(0, NB, fidx_blk, 0)

    c_p = pltpu.async_copy(p_hbm.at[fidx], pq, sem_p)
    c_tv.wait()
    c_p.wait()
    c_b.wait()

    def acc_blk(b, _):
        def acc_k(k, carry):
            dev, sim = carry
            off = k * QPW + b * L
            p = pq[pl.ds(off, L)]
            val = tvb[pl.ds(off, L)]
            valid = p < VALID_CUT
            w = jnp.where(valid, val, 0.0)
            pz = jnp.where(valid, p, 0.0)
            return (dev + w * pz, sim + w)

        dev, sim = lax.fori_loop(
            0, K_PAD, acc_k,
            (jnp.zeros((L,), jnp.float32), jnp.zeros((L,), jnp.float32)),
        )
        ok = sim > 0.0
        devf = jnp.where(ok, dev / jnp.where(ok, sim, 1.0), 0.0)
        outb[pl.ds(b * L, L)] = jnp.maximum(
            base_v[pl.ds(b * L, L)] + devf, 0.0
        )
        return 0

    lax.fori_loop(0, NB, acc_blk, 0)
    pltpu.sync_copy(outb, out_hbm.at[pl.ds(q0, QPW)])


def _sc_aggregate(t_ids, u_ids, s_ids, tv_flat, ti_flat, p_flat, avg_flat):
    mesh = plsc.VectorSubcoreMesh(
        core_axis_name="c", subcore_axis_name="s",
        num_cores=NC, num_subcores=NS,
    )
    run = pl.kernel(
        _sc_agg_body,
        out_type=jax.ShapeDtypeStruct((BATCH,), jnp.float32),
        mesh=mesh,
        scratch_types=[
            pltpu.VMEM((QPW,), jnp.int32),
            pltpu.VMEM((QPW,), jnp.int32),
            pltpu.VMEM((QPW,), jnp.int32),
            pltpu.VMEM((QPW,), jnp.int32),
            pltpu.VMEM((QPW,), jnp.int32),
            pltpu.VMEM((QPW,), jnp.float32),
            pltpu.VMEM((QPW * K_PAD,), jnp.int32),
            pltpu.VMEM((QPW * K_PAD,), jnp.int32),
            pltpu.VMEM((QPW * K_PAD,), jnp.int32),
            pltpu.VMEM((QPW * K_PAD,), jnp.float32),
            pltpu.VMEM((QPW * K_PAD,), jnp.float32),
            pltpu.VMEM((QPW,), jnp.float32),
            pltpu.SemaphoreType.DMA,
            pltpu.SemaphoreType.DMA,
            pltpu.SemaphoreType.DMA,
            pltpu.SemaphoreType.DMA,
        ],
    )
    return run(t_ids, u_ids, s_ids, tv_flat, ti_flat, p_flat, avg_flat)


@jax.jit
def kernel(x, qos_matrix, mask_matrix, avg_qos, user_sim):
    t_ids = x[:, 0]
    u_ids = x[:, 1]
    s_ids = x[:, 2]
    p3 = jnp.where(
        mask_matrix, qos_matrix - avg_qos[:, :, None], jnp.float32(SENTINEL)
    )
    p_flat = jnp.transpose(p3, (0, 2, 1)).reshape(-1)
    tv, ti = _topk_per_user(user_sim)
    return _sc_aggregate(
        t_ids, u_ids, s_ids, tv.reshape(-1), ti.reshape(-1), p_flat,
        avg_qos.reshape(-1)
    )

# --- scband reference (transcript-rebuilt; emitter-appended) ---
"""Pipeline reference for scband-trcfmodel-22136261443920 (READ-ONLY COPY).

The authoritative reference and input builder live on the scoring server;
editing this copy changes nothing except your own understanding.
"""

import jax, jax.numpy as jnp
import numpy as np

NUM_TIMES = 16
NUM_USERS = 2048
NUM_SERVICES = 1024
BATCH = 8192
MAX_NEIGHBORS = 50


def setup_inputs(seed: int = 0) -> dict:
    key = jax.random.key(seed)
    k1, k2, k3, k4, k5, k6 = jax.random.split(key, 6)
    t_ids = jax.random.randint(k1, (BATCH,), 0, NUM_TIMES)
    u_ids = jax.random.randint(k2, (BATCH,), 0, NUM_USERS)
    s_ids = jax.random.randint(k3, (BATCH,), 0, NUM_SERVICES)
    x = jnp.stack([t_ids, u_ids, s_ids], axis=1)
    # Learned / precomputed state of the TRCF model
    qos_matrix = jax.random.uniform(k4, (NUM_USERS, NUM_SERVICES, NUM_TIMES), minval=0.0, maxval=20.0, dtype=jnp.float32)
    mask_matrix = jax.random.bernoulli(k5, 0.3, (NUM_USERS, NUM_SERVICES, NUM_TIMES))
    counts = mask_matrix.sum(axis=2)
    sums = (qos_matrix * mask_matrix).sum(axis=2)
    avg_qos = jnp.where(counts > 0, sums / jnp.maximum(counts, 1), 0.0).astype(jnp.float32)
    sim_raw = jax.random.uniform(k6, (NUM_USERS, NUM_USERS), minval=-1.0, maxval=1.0, dtype=jnp.float32)
    user_sim = (sim_raw + sim_raw.T) * 0.5
    user_sim = user_sim.at[jnp.diag_indices(NUM_USERS)].set(1.0)
    return {"x": x, "qos_matrix": qos_matrix, "mask_matrix": mask_matrix, "avg_qos": avg_qos, "user_sim": user_sim}


def reference(x, qos_matrix, mask_matrix, avg_qos, user_sim):
    t = x[:, 0]
    u = x[:, 1]
    s = x[:, 2]
    # base prediction: per (user, service) average QoS
    base_qos = avg_qos[u, s]
    # gather similarity rows for each query user and take top-k neighbors
    sims = user_sim[u]                                  # [B, U]
    topk_val, topk_idx = jax.lax.top_k(sims, MAX_NEIGHBORS)  # [B, K]
    # which neighbors observed (s, t)
    valid = mask_matrix[topk_idx, s[:, None], t[:, None]]    # [B, K] bool
    avg_v_s = avg_qos[topk_idx, s[:, None]]                   # [B, K]
    dev_v_s = qos_matrix[topk_idx, s[:, None], t[:, None]] - avg_v_s
    w = jnp.where(valid, topk_val, 0.0)
    dev_sum = (w * dev_v_s).sum(axis=-1)
    sim_sum = w.sum(axis=-1)
    deviation = jnp.where(sim_sum > 0, dev_sum / jnp.where(sim_sum > 0, sim_sum, 1.0), 0.0)
    preds = base_qos + deviation
    return jnp.maximum(preds, 0.0)

if __name__ == "__main__":
    import jax
    _d = setup_inputs()
    print(jax.jit(kernel)(*tuple(_d.values())))

</pallas_src>

<mosaic_0001>
#map = affine_map<(d0, d1) -> (0)>
module attributes {stable_mosaic.version = 14 : i64} {
  func.func @_sc_agg_body(%arg0: i32, %arg1: i32, %arg2: memref<8192xi32, #tpu.memory_space<hbm>>, %arg3: memref<8192xi32, #tpu.memory_space<hbm>>, %arg4: memref<8192xi32, #tpu.memory_space<hbm>>, %arg5: memref<114688xf32, #tpu.memory_space<hbm>>, %arg6: memref<114688xi32, #tpu.memory_space<hbm>>, %arg7: memref<33554432xf32, #tpu.memory_space<hbm>>, %arg8: memref<2097152xf32, #tpu.memory_space<hbm>>, %arg9: memref<8192xf32, #tpu.memory_space<hbm>>, %arg10: memref<256xi32, #tpu.memory_space<vmem>>, %arg11: memref<256xi32, #tpu.memory_space<vmem>>, %arg12: memref<256xi32, #tpu.memory_space<vmem>>, %arg13: memref<256xi32, #tpu.memory_space<vmem>>, %arg14: memref<256xi32, #tpu.memory_space<vmem>>, %arg15: memref<256xf32, #tpu.memory_space<vmem>>, %arg16: memref<14336xi32, #tpu.memory_space<vmem>>, %arg17: memref<14336xi32, #tpu.memory_space<vmem>>, %arg18: memref<14336xi32, #tpu.memory_space<vmem>>, %arg19: memref<14336xf32, #tpu.memory_space<vmem>>, %arg20: memref<14336xf32, #tpu.memory_space<vmem>>, %arg21: memref<256xf32, #tpu.memory_space<vmem>>, %arg22: memref<!tpu.dma_semaphore, #tpu.memory_space<semaphore_mem>>, %arg23: memref<!tpu.dma_semaphore, #tpu.memory_space<semaphore_mem>>, %arg24: memref<!tpu.dma_semaphore, #tpu.memory_space<semaphore_mem>>, %arg25: memref<!tpu.dma_semaphore, #tpu.memory_space<semaphore_mem>>) attributes {dimension_semantics = [#tpu.dimension_semantics<core_parallel>, #tpu.dimension_semantics<subcore_parallel>], iteration_bounds = array<i64: 2, 16>, scalar_prefetch = 0 : i64, scratch_operands = 16 : i64, tpu.core_type = #tpu.core_type<sc_vector_subcore>, window_params = [{transform_indices = #map}, {transform_indices = #map}, {transform_indices = #map}, {transform_indices = #map}, {transform_indices = #map}, {transform_indices = #map}, {transform_indices = #map}, {transform_indices = #map}]} {
    %mul3A = arith.constant 2 : i32
    %mul3A_0 = arith.muli %arg1, %mul3A : i32
    %add3A = arith.addi %mul3A_0, %arg0 : i32
    %mul3A_1 = arith.constant 256 : i32
    %mul3A_2 = arith.muli %add3A, %mul3A_1 : i32
    "tpu.region"() ({
      %run_scoped3A = tpu.sem_alloc : memref<!tpu.dma_semaphore, #tpu.memory_space<semaphore_mem>>
      %dma_start3A_44 = tpu.memref_slice %arg3[%mul3A_2] : memref<8192xi32, #tpu.memory_space<hbm>> -> memref<256xi32, #tpu.memory_space<hbm>>
      %dma_start3A_45 = tpu.memref_slice %arg3[%mul3A_2] : memref<8192xi32, #tpu.memory_space<hbm>> -> memref<256xi32, #tpu.memory_space<hbm>>
      tpu.enqueue_dma source(%dma_start3A_45 : memref<256xi32, #tpu.memory_space<hbm>>) target(%arg10 : memref<256xi32, #tpu.memory_space<vmem>>) target_semaphore(%run_scoped3A : memref<!tpu.dma_semaphore, #tpu.memory_space<semaphore_mem>>)
      %dma_wait3A_46 = tpu.memref_slice %arg3[%mul3A_2] : memref<8192xi32, #tpu.memory_space<hbm>> -> memref<256xi32, #tpu.memory_space<hbm>>
      %dma_wait3A_47 = tpu.memref_slice %arg3[%mul3A_2] : memref<8192xi32, #tpu.memory_space<hbm>> -> memref<256xi32, #tpu.memory_space<hbm>>
      tpu.wait_dma2 semaphore(%run_scoped3A : memref<!tpu.dma_semaphore, #tpu.memory_space<semaphore_mem>>) src(%dma_wait3A_47 : memref<256xi32, #tpu.memory_space<hbm>>) dst(%arg10 : memref<256xi32, #tpu.memory_space<vmem>>)
      tpu.yield
    }) : () -> ()
    "tpu.region"() ({
      %run_scoped3A = tpu.sem_alloc : memref<!tpu.dma_semaphore, #tpu.memory_space<semaphore_mem>>
      %dma_start3A_44 = tpu.memref_slice %arg4[%mul3A_2] : memref<8192xi32, #tpu.memory_space<hbm>> -> memref<256xi32, #tpu.memory_space<hbm>>
      %dma_start3A_45 = tpu.memref_slice %arg4[%mul3A_2] : memref<8192xi32, #tpu.memory_space<hbm>> -> memref<256xi32, #tpu.memory_space<hbm>>
      tpu.enqueue_dma source(%dma_start3A_45 : memref<256xi32, #tpu.memory_space<hbm>>) target(%arg11 : memref<256xi32, #tpu.memory_space<vmem>>) target_semaphore(%run_scoped3A : memref<!tpu.dma_semaphore, #tpu.memory_space<semaphore_mem>>)
      %dma_wait3A_46 = tpu.memref_slice %arg4[%mul3A_2] : memref<8192xi32, #tpu.memory_space<hbm>> -> memref<256xi32, #tpu.memory_space<hbm>>
      %dma_wait3A_47 = tpu.memref_slice %arg4[%mul3A_2] : memref<8192xi32, #tpu.memory_space<hbm>> -> memref<256xi32, #tpu.memory_space<hbm>>
      tpu.wait_dma2 semaphore(%run_scoped3A : memref<!tpu.dma_semaphore, #tpu.memory_space<semaphore_mem>>) src(%dma_wait3A_47 : memref<256xi32, #tpu.memory_space<hbm>>) dst(%arg11 : memref<256xi32, #tpu.memory_space<vmem>>)
      tpu.yield
    }) : () -> ()
    "tpu.region"() ({
      %run_scoped3A = tpu.sem_alloc : memref<!tpu.dma_semaphore, #tpu.memory_space<semaphore_mem>>
      %dma_start3A_44 = tpu.memref_slice %arg2[%mul3A_2] : memref<8192xi32, #tpu.memory_space<hbm>> -> memref<256xi32, #tpu.memory_space<hbm>>
      %dma_start3A_45 = tpu.memref_slice %arg2[%mul3A_2] : memref<8192xi32, #tpu.memory_space<hbm>> -> memref<256xi32, #tpu.memory_space<hbm>>
      tpu.enqueue_dma source(%dma_start3A_45 : memref<256xi32, #tpu.memory_space<hbm>>) target(%arg12 : memref<256xi32, #tpu.memory_space<vmem>>) target_semaphore(%run_scoped3A : memref<!tpu.dma_semaphore, #tpu.memory_space<semaphore_mem>>)
      %dma_wait3A_46 = tpu.memref_slice %arg2[%mul3A_2] : memref<8192xi32, #tpu.memory_space<hbm>> -> memref<256xi32, #tpu.memory_space<hbm>>
      %dma_wait3A_47 = tpu.memref_slice %arg2[%mul3A_2] : memref<8192xi32, #tpu.memory_space<hbm>> -> memref<256xi32, #tpu.memory_space<hbm>>
      tpu.wait_dma2 semaphore(%run_scoped3A : memref<!tpu.dma_semaphore, #tpu.memory_space<semaphore_mem>>) src(%dma_wait3A_47 : memref<256xi32, #tpu.memory_space<hbm>>) dst(%arg12 : memref<256xi32, #tpu.memory_space<vmem>>)
      tpu.yield
    }) : () -> ()
    %scan3A = arith.constant 0 : i32
    %scan3A_3 = arith.constant 0 : i32
    %scan3A_4 = arith.constant 16 : i32
    %scan3A_5 = arith.addi %scan3A_3, %scan3A_4 : i32
    %scan3A_6 = arith.constant 1 : i32
    %scan3A_7 = scf.for %scan3A_44 = %scan3A_3 to %scan3A_5 step %scan3A_6 iter_args(%scan3A_45 = %scan3A) -> (i32)  : i32 {
      %mul3A_46 = arith.constant 16 : i32
      %mul3A_47 = arith.muli %scan3A_44, %mul3A_46 : i32
      %get3A = arith.index_cast %mul3A_47 : i32 to index
      %get3A_48 = tpu.vector_load %arg11[%get3A] {strides = array<i32>} : memref<256xi32, #tpu.memory_space<vmem>>, vector<16xi32>,
      %get3A_49 = vector.shape_cast %get3A_48 : vector<16xi32> to vector<16xi32>
      %mul3A_50 = arith.constant 16 : i32
      %mul3A_51 = arith.muli %scan3A_44, %mul3A_50 : i32
      %get3A_52 = arith.index_cast %mul3A_51 : i32 to index
      %get3A_53 = tpu.vector_load %arg12[%get3A_52] {strides = array<i32>} : memref<256xi32, #tpu.memory_space<vmem>>, vector<16xi32>,
      %get3A_54 = vector.shape_cast %get3A_53 : vector<16xi32> to vector<16xi32>
      %mul3A_55 = arith.constant 16 : i32
      %mul3A_56 = arith.muli %scan3A_44, %mul3A_55 : i32
      %get3A_57 = arith.index_cast %mul3A_56 : i32 to index
      %get3A_58 = tpu.vector_load %arg10[%get3A_57] {strides = array<i32>} : memref<256xi32, #tpu.memory_space<vmem>>, vector<16xi32>,
      %get3A_59 = vector.shape_cast %get3A_58 : vector<16xi32> to vector<16xi32>
      %mul3A_60 = arith.constant 1024 : i32
      %mul3A_61 = vector.broadcast %mul3A_60 : i32 to vector<16xi32>
      %mul3A_62 = arith.muli %get3A_59, %mul3A_61 : vector<16xi32>
      %add3A_63 = arith.addi %mul3A_62, %get3A_49 : vector<16xi32>
      %mul3A_64 = arith.constant 16 : i32
      %mul3A_65 = arith.muli %scan3A_44, %mul3A_64 : i32
      %swap3A = arith.index_cast %mul3A_65 : i32 to index
      %swap3A_66 = tpu.vector_load %arg13[%swap3A] {strides = array<i32>} : memref<256xi32, #tpu.memory_space<vmem>>, vector<16xi32>,
      %swap3A_67 = vector.shape_cast %swap3A_66 : vector<16xi32> to vector<16xi32>
      %swap3A_68 = vector.shape_cast %add3A_63 : vector<16xi32> to vector<16xi32>
      tpu.vector_store %arg13[%swap3A], %swap3A_68 {strides = array<i32>} : memref<256xi32, #tpu.memory_space<vmem>>, vector<16xi32>,
      %mul3A_69 = arith.constant 1024 : i32
      %mul3A_70 = vector.broadcast %mul3A_69 : i32 to vector<16xi32>
      %mul3A_71 = arith.muli %get3A_54, %mul3A_70 : vector<16xi32>
      %add3A_72 = arith.addi %mul3A_71, %get3A_49 : vector<16xi32>
      %mul3A_73 = arith.constant 16 : i32
      %mul3A_74 = arith.muli %scan3A_44, %mul3A_73 : i32
      %swap3A_75 = arith.index_cast %mul3A_74 : i32 to index
      %swap3A_76 = tpu.vector_load %arg14[%swap3A_75] {strides = array<i32>} : memref<256xi32, #tpu.memory_space<vmem>>, vector<16xi32>,
      %swap3A_77 = vector.shape_cast %swap3A_76 : vector<16xi32> to vector<16xi32>
      %swap3A_78 = vector.shape_cast %add3A_72 : vector<16xi32> to vector<16xi32>
      tpu.vector_store %arg14[%swap3A_75], %swap3A_78 {strides = array<i32>} : memref<256xi32, #tpu.memory_space<vmem>>, vector<16xi32>,
      %scan3A_79 = arith.constant 0 : i32
      scf.yield %scan3A_79 : i32
    }
    %scan3A_8 = arith.constant 16 : i32
    %dma_start3A = arith.constant 0 : i32
    %dma_start3A_9 = tpu.memref_slice %arg8[%dma_start3A] : memref<2097152xf32, #tpu.memory_space<hbm>> -> memref<2097152xf32, #tpu.memory_space<hbm>>
    tpu.enqueue_indirect_dma source(%dma_start3A_9 : memref<2097152xf32, #tpu.memory_space<hbm>>) target(%arg15 : memref<256xf32, #tpu.memory_space<vmem>>) offsets(%arg13 : memref<256xi32, #tpu.memory_space<vmem>>) semaphore(%arg22 : memref<!tpu.dma_semaphore, #tpu.memory_space<semaphore_mem>>)
    %scan3A_10 = arith.constant 0 : i32
    %scan3A_11 = arith.constant 0 : i32
    %scan3A_12 = arith.constant 16 : i32
    %scan3A_13 = arith.addi %scan3A_11, %scan3A_12 : i32
    %scan3A_14 = arith.constant 1 : i32
    %scan3A_15 = scf.for %scan3A_44 = %scan3A_11 to %scan3A_13 step %scan3A_14 iter_args(%scan3A_45 = %scan3A_10) -> (i32)  : i32 {
      %mul3A_46 = arith.constant 16 : i32
      %mul3A_47 = arith.muli %scan3A_44, %mul3A_46 : i32
      %get3A = arith.index_cast %mul3A_47 : i32 to index
      %get3A_48 = tpu.vector_load %arg10[%get3A] {strides = array<i32>} : memref<256xi32, #tpu.memory_space<vmem>>, vector<16xi32>,
      %get3A_49 = vector.shape_cast %get3A_48 : vector<16xi32> to vector<16xi32>
      %mul3A_50 = arith.constant 56 : i32
      %mul3A_51 = vector.broadcast %mul3A_50 : i32 to vector<16xi32>
      %mul3A_52 = arith.muli %get3A_49, %mul3A_51 : vector<16xi32>
      %scan3A_53 = arith.constant 0 : i32
      %scan3A_54 = arith.constant 0 : i32
      %scan3A_55 = arith.constant 56 : i32
      %scan3A_56 = arith.addi %scan3A_54, %scan3A_55 : i32
      %scan3A_57 = arith.constant 1 : i32
      %scan3A_58 = scf.for %scan3A_61 = %scan3A_54 to %scan3A_56 step %scan3A_57 iter_args(%scan3A_62 = %scan3A_53) -> (i32)  : i32 {
        %add3A_63 = vector.broadcast %scan3A_61 : i32 to vector<16xi32>
        %add3A_64 = arith.addi %mul3A_52, %add3A_63 : vector<16xi32>
        %mul3A_65 = arith.constant 256 : i32
        %mul3A_66 = arith.muli %scan3A_61, %mul3A_65 : i32
        %mul3A_67 = arith.constant 16 : i32
        %mul3A_68 = arith.muli %scan3A_44, %mul3A_67 : i32
        %add3A_69 = arith.addi %mul3A_66, %mul3A_68 : i32
        %swap3A = arith.index_cast %add3A_69 : i32 to index
        %swap3A_70 = tpu.vector_load %arg16[%swap3A] {strides = array<i32>} : memref<14336xi32, #tpu.memory_space<vmem>>, vector<16xi32>,
        %swap3A_71 = vector.shape_cast %swap3A_70 : vector<16xi32> to vector<16xi32>
        %swap3A_72 = vector.shape_cast %add3A_64 : vector<16xi32> to vector<16xi32>
        tpu.vector_store %arg16[%swap3A], %swap3A_72 {strides = array<i32>} : memref<14336xi32, #tpu.memory_space<vmem>>, vector<16xi32>,
        %scan3A_73 = arith.constant 0 : i32
        scf.yield %scan3A_73 : i32
      }
      %scan3A_59 = arith.constant 56 : i32
      %scan3A_60 = arith.constant 0 : i32
      scf.yield %scan3A_60 : i32
    }
    %scan3A_16 = arith.constant 16 : i32
    %dma_start3A_17 = arith.constant 0 : i32
    %dma_start3A_18 = tpu.memref_slice %arg6[%dma_start3A_17] : memref<114688xi32, #tpu.memory_space<hbm>> -> memref<114688xi32, #tpu.memory_space<hbm>>
    tpu.enqueue_indirect_dma source(%dma_start3A_18 : memref<114688xi32, #tpu.memory_space<hbm>>) target(%arg18 : memref<14336xi32, #tpu.memory_space<vmem>>) offsets(%arg16 : memref<14336xi32, #tpu.memory_space<vmem>>) semaphore(%arg23 : memref<!tpu.dma_semaphore, #tpu.memory_space<semaphore_mem>>)
    %dma_start3A_19 = arith.constant 0 : i32
    %dma_start3A_20 = tpu.memref_slice %arg5[%dma_start3A_19] : memref<114688xf32, #tpu.memory_space<hbm>> -> memref<114688xf32, #tpu.memory_space<hbm>>
    tpu.enqueue_indirect_dma source(%dma_start3A_20 : memref<114688xf32, #tpu.memory_space<hbm>>) target(%arg19 : memref<14336xf32, #tpu.memory_space<vmem>>) offsets(%arg16 : memref<14336xi32, #tpu.memory_space<vmem>>) semaphore(%arg24 : memref<!tpu.dma_semaphore, #tpu.memory_space<semaphore_mem>>)
    %dma_wait3A = arith.constant 0 : i32
    %dma_wait3A_21 = tpu.memref_slice %arg6[%dma_wait3A] : memref<114688xi32, #tpu.memory_space<hbm>> -> memref<114688xi32, #tpu.memory_space<hbm>>
    tpu.wait_indirect_dma semaphore(%arg23 : memref<!tpu.dma_semaphore, #tpu.memory_space<semaphore_mem>>) src(%dma_wait3A_21 : memref<114688xi32, #tpu.memory_space<hbm>>) dst(%arg18 : memref<14336xi32, #tpu.memory_space<vmem>>)
    %scan3A_22 = arith.constant 0 : i32
    %scan3A_23 = arith.constant 0 : i32
    %scan3A_24 = arith.constant 16 : i32
    %scan3A_25 = arith.addi %scan3A_23, %scan3A_24 : i32
    %scan3A_26 = arith.constant 1 : i32
    %scan3A_27 = scf.for %scan3A_44 = %scan3A_23 to %scan3A_25 step %scan3A_26 iter_args(%scan3A_45 = %scan3A_22) -> (i32)  : i32 {
      %mul3A_46 = arith.constant 16 : i32
      %mul3A_47 = arith.muli %scan3A_44, %mul3A_46 : i32
      %get3A = arith.index_cast %mul3A_47 : i32 to index
      %get3A_48 = tpu.vector_load %arg14[%get3A] {strides = array<i32>} : memref<256xi32, #tpu.memory_space<vmem>>, vector<16xi32>,
      %get3A_49 = vector.shape_cast %get3A_48 : vector<16xi32> to vector<16xi32>
      %scan3A_50 = arith.constant 0 : i32
      %scan3A_51 = arith.constant 0 : i32
      %scan3A_52 = arith.constant 56 : i32
      %scan3A_53 = arith.addi %scan3A_51, %scan3A_52 : i32
      %scan3A_54 = arith.constant 1 : i32
      %scan3A_55 = scf.for %scan3A_58 = %scan3A_51 to %scan3A_53 step %scan3A_54 iter_args(%scan3A_59 = %scan3A_50) -> (i32)  : i32 {
        %mul3A_60 = arith.constant 256 : i32
        %mul3A_61 = arith.muli %scan3A_58, %mul3A_60 : i32
        %mul3A_62 = arith.constant 16 : i32
        %mul3A_63 = arith.muli %scan3A_44, %mul3A_62 : i32
        %add3A_64 = arith.addi %mul3A_61, %mul3A_63 : i32
        %get3A_65 = arith.index_cast %add3A_64 : i32 to index
        %get3A_66 = tpu.vector_load %arg18[%get3A_65] {strides = array<i32>} : memref<14336xi32, #tpu.memory_space<vmem>>, vector<16xi32>,
        %get3A_67 = vector.shape_cast %get3A_66 : vector<16xi32> to vector<16xi32>
        %mul3A_68 = arith.constant 16384 : i32
        %mul3A_69 = vector.broadcast %mul3A_68 : i32 to vector<16xi32>
        %mul3A_70 = arith.muli %get3A_67, %mul3A_69 : vector<16xi32>
        %add3A_71 = arith.addi %mul3A_70, %get3A_49 : vector<16xi32>
        %swap3A = arith.index_cast %add3A_64 : i32 to index
        %swap3A_72 = tpu.vector_load %arg17[%swap3A] {strides = array<i32>} : memref<14336xi32, #tpu.memory_space<vmem>>, vector<16xi32>,
        %swap3A_73 = vector.shape_cast %swap3A_72 : vector<16xi32> to vector<16xi32>
        %swap3A_74 = vector.shape_cast %add3A_71 : vector<16xi32> to vector<16xi32>
        tpu.vector_store %arg17[%swap3A], %swap3A_74 {strides = array<i32>} : memref<14336xi32, #tpu.memory_space<vmem>>, vector<16xi32>,
        %scan3A_75 = arith.constant 0 : i32
        scf.yield %scan3A_75 : i32
      }
      %scan3A_56 = arith.constant 56 : i32
      %scan3A_57 = arith.constant 0 : i32
      scf.yield %scan3A_57 : i32
    }
    %scan3A_28 = arith.constant 16 : i32
    %dma_start3A_29 = arith.constant 0 : i32
    %dma_start3A_30 = tpu.memref_slice %arg7[%dma_start3A_29] : memref<33554432xf32, #tpu.memory_space<hbm>> -> memref<33554432xf32, #tpu.memory_space<hbm>>
    tpu.enqueue_indirect_dma source(%dma_start3A_30 : memref<33554432xf32, #tpu.memory_space<hbm>>) target(%arg20 : memref<14336xf32, #tpu.memory_space<vmem>>) offsets(%arg17 : memref<14336xi32, #tpu.memory_space<vmem>>) semaphore(%arg25 : memref<!tpu.dma_semaphore, #tpu.memory_space<semaphore_mem>>)
    %dma_wait3A_31 = arith.constant 0 : i32
    %dma_wait3A_32 = tpu.memref_slice %arg5[%dma_wait3A_31] : memref<114688xf32, #tpu.memory_space<hbm>> -> memref<114688xf32, #tpu.memory_space<hbm>>
    tpu.wait_indirect_dma semaphore(%arg24 : memref<!tpu.dma_semaphore, #tpu.memory_space<semaphore_mem>>) src(%dma_wait3A_32 : memref<114688xf32, #tpu.memory_space<hbm>>) dst(%arg19 : memref<14336xf32, #tpu.memory_space<vmem>>)
    %dma_wait3A_33 = arith.constant 0 : i32
    %dma_wait3A_34 = tpu.memref_slice %arg7[%dma_wait3A_33] : memref<33554432xf32, #tpu.memory_space<hbm>> -> memref<33554432xf32, #tpu.memory_space<hbm>>
    tpu.wait_indirect_dma semaphore(%arg25 : memref<!tpu.dma_semaphore, #tpu.memory_space<semaphore_mem>>) src(%dma_wait3A_34 : memref<33554432xf32, #tpu.memory_space<hbm>>) dst(%arg20 : memref<14336xf32, #tpu.memory_space<vmem>>)
    %dma_wait3A_35 = arith.constant 0 : i32
    %dma_wait3A_36 = tpu.memref_slice %arg8[%dma_wait3A_35] : memref<2097152xf32, #tpu.memory_space<hbm>> -> memref<2097152xf32, #tpu.memory_space<hbm>>
    tpu.wait_indirect_dma semaphore(%arg22 : memref<!tpu.dma_semaphore, #tpu.memory_space<semaphore_mem>>) src(%dma_wait3A_36 : memref<2097152xf32, #tpu.memory_space<hbm>>) dst(%arg15 : memref<256xf32, #tpu.memory_space<vmem>>)
    %scan3A_37 = arith.constant 0 : i32
    %scan3A_38 = arith.constant 0 : i32
    %scan3A_39 = arith.constant 16 : i32
    %scan3A_40 = arith.addi %scan3A_38, %scan3A_39 : i32
    %scan3A_41 = arith.constant 1 : i32
    %scan3A_42 = scf.for %scan3A_44 = %scan3A_38 to %scan3A_40 step %scan3A_41 iter_args(%scan3A_45 = %scan3A_37) -> (i32)  : i32 {
      %broadcast_in_dim3A = arith.constant 0.000000e+00 : f32
      %broadcast_in_dim3A_46 = vector.broadcast %broadcast_in_dim3A : f32 to vector<16xf32>
      %broadcast_in_dim3A_47 = arith.constant 0.000000e+00 : f32
      %broadcast_in_dim3A_48 = vector.broadcast %broadcast_in_dim3A_47 : f32 to vector<16xf32>
      %scan3A_49 = arith.constant 0 : i32
      %scan3A_50 = arith.constant 56 : i32
      %scan3A_51 = arith.addi %scan3A_49, %scan3A_50 : i32
      %scan3A_52 = arith.constant 1 : i32
      %scan3A_53:2 = scf.for %scan3A_74 = %scan3A_49 to %scan3A_51 step %scan3A_52 iter_args(%scan3A_75 = %broadcast_in_dim3A_46, %scan3A_76 = %broadcast_in_dim3A_48) -> (vector<16xf32>, vector<16xf32>)  : i32 {
        %mul3A_77 = arith.constant 256 : i32
        %mul3A_78 = arith.muli %scan3A_74, %mul3A_77 : i32
        %mul3A_79 = arith.constant 16 : i32
        %mul3A_80 = arith.muli %scan3A_44, %mul3A_79 : i32
        %add3A_81 = arith.addi %mul3A_78, %mul3A_80 : i32
        %get3A_82 = arith.index_cast %add3A_81 : i32 to index
        %get3A_83 = tpu.vector_load %arg20[%get3A_82] {strides = array<i32>} : memref<14336xf32, #tpu.memory_space<vmem>>, vector<16xf32>,
        %get3A_84 = vector.shape_cast %get3A_83 : vector<16xf32> to vector<16xf32>
        %get3A_85 = arith.index_cast %add3A_81 : i32 to index
        %get3A_86 = tpu.vector_load %arg19[%get3A_85] {strides = array<i32>} : memref<14336xf32, #tpu.memory_space<vmem>>, vector<16xf32>,
        %get3A_87 = vector.shape_cast %get3A_86 : vector<16xf32> to vector<16xf32>
        %lt3A = arith.constant 1.000000e+30 : f32
        %lt3A_88 = vector.broadcast %lt3A : f32 to vector<16xf32>
        %lt3A_89 = arith.cmpf olt, %get3A_84, %lt3A_88 : vector<16xf32>
        %jit3A_90 = arith.constant 0.000000e+00 : f32
        %broadcast_in_dim3A_91 = vector.broadcast %jit3A_90 : f32 to vector<16xf32>
        %select_n3A_92 = arith.select %lt3A_89, %get3A_87, %broadcast_in_dim3A_91 : vector<16xi1>, vector<16xf32>
        %jit3A_93 = arith.constant 0.000000e+00 : f32
        %broadcast_in_dim3A_94 = vector.broadcast %jit3A_93 : f32 to vector<16xf32>
        %select_n3A_95 = arith.select %lt3A_89, %get3A_84, %broadcast_in_dim3A_94 : vector<16xi1>, vector<16xf32>
        %mul3A_96 = arith.mulf %select_n3A_92, %select_n3A_95 : vector<16xf32>
        %add3A_97 = arith.addf %scan3A_75, %mul3A_96 : vector<16xf32>
        %add3A_98 = arith.addf %scan3A_76, %select_n3A_92 : vector<16xf32>
        scf.yield %add3A_97, %add3A_98 : vector<16xf32>, vector<16xf32>
      }
      %scan3A_54 = arith.constant 56 : i32
      %gt3A = arith.constant 0.000000e+00 : f32
      %gt3A_55 = vector.broadcast %gt3A : f32 to vector<16xf32>
      %gt3A_56 = arith.cmpf ogt, %scan3A_53#1, %gt3A_55 : vector<16xf32>
      %jit3A = arith.constant 1.000000e+00 : f32
      %broadcast_in_dim3A_57 = vector.broadcast %jit3A : f32 to vector<16xf32>
      %select_n3A = arith.select %gt3A_56, %scan3A_53#1, %broadcast_in_dim3A_57 : vector<16xi1>, vector<16xf32>
      %div3A = arith.divf %scan3A_53#0, %select_n3A : vector<16xf32>
      %jit3A_58 = arith.constant 0.000000e+00 : f32
      %broadcast_in_dim3A_59 = vector.broadcast %jit3A_58 : f32 to vector<16xf32>
      %select_n3A_60 = arith.select %gt3A_56, %div3A, %broadcast_in_dim3A_59 : vector<16xi1>, vector<16xf32>
      %mul3A_61 = arith.constant 16 : i32
      %mul3A_62 = arith.muli %scan3A_44, %mul3A_61 : i32
      %get3A = arith.index_cast %mul3A_62 : i32 to index
      %get3A_63 = tpu.vector_load %arg15[%get3A] {strides = array<i32>} : memref<256xf32, #tpu.memory_space<vmem>>, vector<16xf32>,
      %get3A_64 = vector.shape_cast %get3A_63 : vector<16xf32> to vector<16xf32>
      %add3A_65 = arith.addf %get3A_64, %select_n3A_60 : vector<16xf32>
      %max3A = arith.constant 0.000000e+00 : f32
      %max3A_66 = vector.broadcast %max3A : f32 to vector<16xf32>
      %max3A_67 = arith.maximumf %add3A_65, %max3A_66 : vector<16xf32>
      %mul3A_68 = arith.constant 16 : i32
      %mul3A_69 = arith.muli %scan3A_44, %mul3A_68 : i32
      %swap3A = arith.index_cast %mul3A_69 : i32 to index
      %swap3A_70 = tpu.vector_load %arg21[%swap3A] {strides = array<i32>} : memref<256xf32, #tpu.memory_space<vmem>>, vector<16xf32>,
      %swap3A_71 = vector.shape_cast %swap3A_70 : vector<16xf32> to vector<16xf32>
      %swap3A_72 = vector.shape_cast %max3A_67 : vector<16xf32> to vector<16xf32>
      tpu.vector_store %arg21[%swap3A], %swap3A_72 {strides = array<i32>} : memref<256xf32, #tpu.memory_space<vmem>>, vector<16xf32>,
      %scan3A_73 = arith.constant 0 : i32
      scf.yield %scan3A_73 : i32
    }
    %scan3A_43 = arith.constant 16 : i32
    "tpu.region"() ({
      %run_scoped3A = tpu.sem_alloc : memref<!tpu.dma_semaphore, #tpu.memory_space<semaphore_mem>>
      %dma_start3A_44 = tpu.memref_slice %arg9[%mul3A_2] : memref<8192xf32, #tpu.memory_space<hbm>> -> memref<256xf32, #tpu.memory_space<hbm>>
      %dma_start3A_45 = tpu.memref_slice %arg9[%mul3A_2] : memref<8192xf32, #tpu.memory_space<hbm>> -> memref<256xf32, #tpu.memory_space<hbm>>
      tpu.enqueue_dma source(%arg21 : memref<256xf32, #tpu.memory_space<vmem>>) target(%dma_start3A_45 : memref<256xf32, #tpu.memory_space<hbm>>) target_semaphore(%run_scoped3A : memref<!tpu.dma_semaphore, #tpu.memory_space<semaphore_mem>>)
      %dma_wait3A_46 = tpu.memref_slice %arg9[%mul3A_2] : memref<8192xf32, #tpu.memory_space<hbm>> -> memref<256xf32, #tpu.memory_space<hbm>>
      %dma_wait3A_47 = tpu.memref_slice %arg9[%mul3A_2] : memref<8192xf32, #tpu.memory_space<hbm>> -> memref<256xf32, #tpu.memory_space<hbm>>
      tpu.wait_dma2 semaphore(%run_scoped3A : memref<!tpu.dma_semaphore, #tpu.memory_space<semaphore_mem>>) src(%arg21 : memref<256xf32, #tpu.memory_space<vmem>>) dst(%dma_wait3A_47 : memref<256xf32, #tpu.memory_space<hbm>>)
      tpu.yield
    }) : () -> ()
    return
  }
}

module attributes {stable_mosaic.version = 14 : i64} {
  func.func @_topk_body(%arg0: i32, %arg1: memref<256x2048xf32, #tpu.memory_space<vmem>>, %arg2: memref<256x56xf32, #tpu.memory_space<vmem>>, %arg3: memref<256x56xi32, #tpu.memory_space<vmem>>, %arg4: memref<256x2048xf32, #tpu.memory_space<vmem>>) attributes {dimension_semantics = [#tpu.dimension_semantics<arbitrary>], iteration_bounds = array<i64: 8>, scalar_prefetch = 0 : i64, scratch_operands = 1 : i64, tpu.core_type = #tpu.core_type<tc>, window_params = [{transform_indices = @transform_0, window_bounds = array<i64: 256, 2048>}, {transform_indices = @transform_1, window_bounds = array<i64: 256, 56>}, {transform_indices = @transform_2, window_bounds = array<i64: 256, 56>}]} {
    %get3A = arith.constant 0 : index
    %get3A_0 = arith.constant 0 : index
    %get3A_1 = vector.load %arg1[%get3A, %get3A_0] : memref<256x2048xf32, #tpu.memory_space<vmem>>, vector<256x2048xf32>
    %swap3A = arith.constant 0 : index
    %swap3A_2 = arith.constant 0 : index
    %swap3A_3 = vector.load %arg4[%swap3A, %swap3A_2] : memref<256x2048xf32, #tpu.memory_space<vmem>>, vector<256x2048xf32>
    tpu.vector_store %arg4[%swap3A, %swap3A_2], %get3A_1 {strides = array<i32>} : memref<256x2048xf32, #tpu.memory_space<vmem>>, vector<256x2048xf32>,
    %broadcast_in_dim3A = arith.constant 0.000000e+00 : f32
    %broadcast_in_dim3A_4 = vector.broadcast %broadcast_in_dim3A : f32 to vector<256x56xf32>
    %swap3A_5 = arith.constant 0 : index
    %swap3A_6 = arith.constant 0 : index
    %swap3A_7 = vector.load %arg2[%swap3A_5, %swap3A_6] : memref<256x56xf32, #tpu.memory_space<vmem>>, vector<256x56xf32>
    tpu.vector_store %arg2[%swap3A_5, %swap3A_6], %broadcast_in_dim3A_4 {strides = array<i32>} : memref<256x56xf32, #tpu.memory_space<vmem>>, vector<256x56xf32>,
    %broadcast_in_dim3A_8 = arith.constant 0 : i32
    %broadcast_in_dim3A_9 = vector.broadcast %broadcast_in_dim3A_8 : i32 to vector<256x56xi32>
    %swap3A_10 = arith.constant 0 : index
    %swap3A_11 = arith.constant 0 : index
    %swap3A_12 = vector.load %arg3[%swap3A_10, %swap3A_11] : memref<256x56xi32, #tpu.memory_space<vmem>>, vector<256x56xi32>
    tpu.vector_store %arg3[%swap3A_10, %swap3A_11], %broadcast_in_dim3A_9 {strides = array<i32>} : memref<256x56xi32, #tpu.memory_space<vmem>>, vector<256x56xi32>,
    %iota3A = tpu.iota {dimensions = array<i32: 1>} : vector<256x2048xi32>
    %get3A_13 = arith.constant 0 : index
    %get3A_14 = arith.constant 0 : index
    %get3A_15 = vector.load %arg4[%get3A_13, %get3A_14] : memref<256x2048xf32, #tpu.memory_space<vmem>>, vector<256x2048xf32>
    %reduce_max3A = arith.constant dense<0xFF800000> : vector<256xf32>
    %reduce_max3A_16 = vector.multi_reduction <maximumf>, %get3A_15, %reduce_max3A [1] : vector<256x2048xf32> to vector<256xf32>
    %broadcast_in_dim3A_17 = vector.shape_cast %reduce_max3A_16 : vector<256xf32> to vector<256x1xf32>
    %eq3A = vector.broadcast %broadcast_in_dim3A_17 : vector<256x1xf32> to vector<256x2048xf32>
    %eq3A_18 = arith.cmpf oeq, %get3A_15, %eq3A : vector<256x2048xf32>
    %jit3A = arith.constant 1073741824 : i32
    %broadcast_in_dim3A_19 = vector.broadcast %jit3A : i32 to vector<256x2048xi32>
    %select_n3A = arith.select %eq3A_18, %iota3A, %broadcast_in_dim3A_19 : vector<256x2048xi1>, vector<256x2048xi32>
    %reduce_min3A = arith.constant dense<2147483647> : vector<256xi32>
    %reduce_min3A_20 = vector.multi_reduction <minsi>, %select_n3A, %reduce_min3A [1] : vector<256x2048xi32> to vector<256xi32>
    %broadcast_in_dim3A_21 = vector.shape_cast %reduce_min3A_20 : vector<256xi32> to vector<256x1xi32>
    %swap3A_22 = arith.constant 0 : index
    %swap3A_23 = arith.constant 0 : index
    %swap3A_24 = vector.load %arg2[%swap3A_22, %swap3A_23] : memref<256x56xf32, #tpu.memory_space<vmem>>, vector<256x1xf32>
    tpu.vector_store %arg2[%swap3A_22, %swap3A_23], %broadcast_in_dim3A_17 {strides = array<i32>} : memref<256x56xf32, #tpu.memory_space<vmem>>, vector<256x1xf32>,
    %swap3A_25 = arith.constant 0 : index
    %swap3A_26 = arith.constant 0 : index
    %swap3A_27 = vector.load %arg3[%swap3A_25, %swap3A_26] : memref<256x56xi32, #tpu.memory_space<vmem>>, vector<256x1xi32>
    tpu.vector_store %arg3[%swap3A_25, %swap3A_26], %broadcast_in_dim3A_21 {strides = array<i32>} : memref<256x56xi32, #tpu.memory_space<vmem>>, vector<256x1xi32>,
    %eq3A_28 = vector.broadcast %broadcast_in_dim3A_21 : vector<256x1xi32> to vector<256x2048xi32>
    %eq3A_29 = arith.cmpi eq, %iota3A, %eq3A_28 : vector<256x2048xi32>
    %jit3A_30 = arith.constant 0xFF800000 : f32
    %broadcast_in_dim3A_31 = vector.broadcast %jit3A_30 : f32 to vector<256x2048xf32>
    %select_n3A_32 = arith.select %eq3A_29, %broadcast_in_dim3A_31, %get3A_15 : vector<256x2048xi1>, vector<256x2048xf32>
    %swap3A_33 = arith.constant 0 : index
    %swap3A_34 = arith.constant 0 : index
    %swap3A_35 = vector.load %arg4[%swap3A_33, %swap3A_34] : memref<256x2048xf32, #tpu.memory_space<vmem>>, vector<256x2048xf32>
    tpu.vector_store %arg4[%swap3A_33, %swap3A_34], %select_n3A_32 {strides = array<i32>} : memref<256x2048xf32, #tpu.memory_space<vmem>>, vector<256x2048xf32>,
    %get3A_36 = arith.constant 0 : index
    %get3A_37 = arith.constant 0 : index
    %get3A_38 = vector.load %arg4[%get3A_36, %get3A_37] : memref<256x2048xf32, #tpu.memory_space<vmem>>, vector<256x2048xf32>
    %reduce_max3A_39 = arith.constant dense<0xFF800000> : vector<256xf32>
    %reduce_max3A_40 = vector.multi_reduction <maximumf>, %get3A_38, %reduce_max3A_39 [1] : vector<256x2048xf32> to vector<256xf32>
    %broadcast_in_dim3A_41 = vector.shape_cast %reduce_max3A_40 : vector<256xf32> to vector<256x1xf32>
    %eq3A_42 = vector.broadcast %broadcast_in_dim3A_41 : vector<256x1xf32> to vector<256x2048xf32>
    %eq3A_43 = arith.cmpf oeq, %get3A_38, %eq3A_42 : vector<256x2048xf32>
    %jit3A_44 = arith.constant 1073741824 : i32
    %broadcast_in_dim3A_45 = vector.broadcast %jit3A_44 : i32 to vector<256x2048xi32>
    %select_n3A_46 = arith.select %eq3A_43, %iota3A, %broadcast_in_dim3A_45 : vector<256x2048xi1>, vector<256x2048xi32>
    %reduce_min3A_47 = arith.constant dense<2147483647> : vector<256xi32>
    %reduce_min3A_48 = vector.multi_reduction <minsi>, %select_n3A_46, %reduce_min3A_47 [1] : vector<256x2048xi32> to vector<256xi32>
    %broadcast_in_dim3A_49 = vector.shape_cast %reduce_min3A_48 : vector<256xi32> to vector<256x1xi32>
    %swap3A_50 = arith.constant 0 : index
    %swap3A_51 = arith.constant 1 : index
    %swap3A_52 = vector.load %arg2[%swap3A_50, %swap3A_51] : memref<256x56xf32, #tpu.memory_space<vmem>>, vector<256x1xf32>
    tpu.vector_store %arg2[%swap3A_50, %swap3A_51], %broadcast_in_dim3A_41 {strides = array<i32>} : memref<256x56xf32, #tpu.memory_space<vmem>>, vector<256x1xf32>,
    %swap3A_53 = arith.constant 0 : index
    %swap3A_54 = arith.constant 1 : index
    %swap3A_55 = vector.load %arg3[%swap3A_53, %swap3A_54] : memref<256x56xi32, #tpu.memory_space<vmem>>, vector<256x1xi32>
    tpu.vector_store %arg3[%swap3A_53, %swap3A_54], %broadcast_in_dim3A_49 {strides = array<i32>} : memref<256x56xi32, #tpu.memory_space<vmem>>, vector<256x1xi32>,
    %eq3A_56 = vector.broadcast %broadcast_in_dim3A_49 : vector<256x1xi32> to vector<256x2048xi32>
    %eq3A_57 = arith.cmpi eq, %iota3A, %eq3A_56 : vector<256x2048xi32>
    %jit3A_58 = arith.constant 0xFF800000 : f32
    %broadcast_in_dim3A_59 = vector.broadcast %jit3A_58 : f32 to vector<256x2048xf32>
    %select_n3A_60 = arith.select %eq3A_57, %broadcast_in_dim3A_59, %get3A_38 : vector<256x2048xi1>, vector<256x2048xf32>
    %swap3A_61 = arith.constant 0 : index
    %swap3A_62 = arith.constant 0 : index
    %swap3A_63 = vector.load %arg4[%swap3A_61, %swap3A_62] : memref<256x2048xf32, #tpu.memory_space<vmem>>, vector<256x2048xf32>
    tpu.vector_store %arg4[%swap3A_61, %swap3A_62], %select_n3A_60 {strides = array<i32>} : memref<256x2048xf32, #tpu.memory_space<vmem>>, vector<256x2048xf32>,
    %get3A_64 = arith.constant 0 : index
    %get3A_65 = arith.constant 0 : index
    %get3A_66 = vector.load %arg4[%get3A_64, %get3A_65] : memref<256x2048xf32, #tpu.memory_space<vmem>>, vector<256x2048xf32>
    %reduce_max3A_67 = arith.constant dense<0xFF800000> : vector<256xf32>
    %reduce_max3A_68 = vector.multi_reduction <maximumf>, %get3A_66, %reduce_max3A_67 [1] : vector<256x2048xf32> to vector<256xf32>
    %broadcast_in_dim3A_69 = vector.shape_cast %reduce_max3A_68 : vector<256xf32> to vector<256x1xf32>
    %eq3A_70 = vector.broadcast %broadcast_in_dim3A_69 : vector<256x1xf32> to vector<256x2048xf32>
    %eq3A_71 = arith.cmpf oeq, %get3A_66, %eq3A_70 : vector<256x2048xf32>
    %jit3A_72 = arith.constant 1073741824 : i32
    %broadcast_in_dim3A_73 = vector.broadcast %jit3A_72 : i32 to vector<256x2048xi32>
    %select_n3A_74 = arith.select %eq3A_71, %iota3A, %broadcast_in_dim3A_73 : vector<256x2048xi1>, vector<256x2048xi32>
    %reduce_min3A_75 = arith.constant dense<2147483647> : vector<256xi32>
    %reduce_min3A_76 = vector.multi_reduction <minsi>, %select_n3A_74, %reduce_min3A_75 [1] : vector<256x2048xi32> to vector<256xi32>
    %broadcast_in_dim3A_77 = vector.shape_cast %reduce_min3A_76 : vector<256xi32> to vector<256x1xi32>
    %swap3A_78 = arith.constant 0 : index
    %swap3A_79 = arith.constant 2 : index
    %swap3A_80 = vector.load %arg2[%swap3A_78, %swap3A_79] : memref<256x56xf32, #tpu.memory_space<vmem>>, vector<256x1xf32>
    tpu.vector_store %arg2[%swap3A_78, %swap3A_79], %broadcast_in_dim3A_69 {strides = array<i32>} : memref<256x56xf32, #tpu.memory_space<vmem>>, vector<256x1xf32>,
    %swap3A_81 = arith.constant 0 : index
    %swap3A_82 = arith.constant 2 : index
    %swap3A_83 = vector.load %arg3[%swap3A_81, %swap3A_82] : memref<256x56xi32, #tpu.memory_space<vmem>>, vector<256x1xi32>
    tpu.vector_store %arg3[%swap3A_81, %swap3A_82], %broadcast_in_dim3A_77 {strides = array<i32>} : memref<256x56xi32, #tpu.memory_space<vmem>>, vector<256x1xi32>,
    %eq3A_84 = vector.broadcast %broadcast_in_dim3A_77 : vector<256x1xi32> to vector<256x2048xi32>
    %eq3A_85 = arith.cmpi eq, %iota3A, %eq3A_84 : vector<256x2048xi32>
    %jit3A_86 = arith.constant 0xFF800000 : f32
    %broadcast_in_dim3A_87 = vector.broadcast %jit3A_86 : f32 to vector<256x2048xf32>
    %select_n3A_88 = arith.select %eq3A_85, %broadcast_in_dim3A_87, %get3A_66 : vector<256x2048xi1>, vector<256x2048xf32>
    %swap3A_89 = arith.constant 0 : index
    %swap3A_90 = arith.constant 0 : index
    %swap3A_91 = vector.load %arg4[%swap3A_89, %swap3A_90] : memref<256x2048xf32, #tpu.memory_space<vmem>>, vector<256x2048xf32>
    tpu.vector_store %arg4[%swap3A_89, %swap3A_90], %select_n3A_88 {strides = array<i32>} : memref<256x2048xf32, #tpu.memory_space<vmem>>, vector<256x2048xf32>,
    %get3A_92 = arith.constant 0 : index
    %get3A_93 = arith.constant 0 : index
    %get3A_94 = vector.load %arg4[%get3A_92, %get3A_93] : memref<256x2048xf32, #tpu.memory_space<vmem>>, vector<256x2048xf32>
    %reduce_max3A_95 = arith.constant dense<0xFF800000> : vector<256xf32>
    %reduce_max3A_96 = vector.multi_reduction <maximumf>, %get3A_94, %reduce_max3A_95 [1] : vector<256x2048xf32> to vector<256xf32>
    %broadcast_in_dim3A_97 = vector.shape_cast %reduce_max3A_96 : vector<256xf32> to vector<256x1xf32>
    %eq3A_98 = vector.broadcast %broadcast_in_dim3A_97 : vector<256x1xf32> to vector<256x2048xf32>
    %eq3A_99 = arith.cmpf oeq, %get3A_94, %eq3A_98 : vector<256x2048xf32>
    %jit3A_100 = arith.constant 1073741824 : i32
    %broadcast_in_dim3A_101 = vector.broadcast %jit3A_100 : i32 to vector<256x2048xi32>
    %select_n3A_102 = arith.select %eq3A_99, %iota3A, %broadcast_in_dim3A_101 : vector<256x2048xi1>, vector<256x2048xi32>
    %reduce_min3A_103 = arith.constant dense<2147483647> : vector<256xi32>
    %reduce_min3A_104 = vector.multi_reduction <minsi>, %select_n3A_102, %reduce_min3A_103 [1] : vector<256x2048xi32> to vector<256xi32>
    %broadcast_in_dim3A_105 = vector.shape_cast %reduce_min3A_104 : vector<256xi32> to vector<256x1xi32>
    %swap3A_106 = arith.constant 0 : index
    %swap3A_107 = arith.constant 3 : index
    %swap3A_108 = vector.load %arg2[%swap3A_106, %swap3A_107] : memref<256x56xf32, #tpu.memory_space<vmem>>, vector<256x1xf32>
    tpu.vector_store %arg2[%swap3A_106, %swap3A_107], %broadcast_in_dim3A_97 {strides = array<i32>} : memref<256x56xf32, #tpu.memory_space<vmem>>, vector<256x1xf32>,
    %swap3A_109 = arith.constant 0 : index
    %swap3A_110 = arith.constant 3 : index
    %swap3A_111 = vector.load %arg3[%swap3A_109, %swap3A_110] : memref<256x56xi32, #tpu.memory_space<vmem>>, vector<256x1xi32>
    tpu.vector_store %arg3[%swap3A_109, %swap3A_110], %broadcast_in_dim3A_105 {strides = array<i32>} : memref<256x56xi32, #tpu.memory_space<vmem>>, vector<256x1xi32>,
    %eq3A_112 = vector.broadcast %broadcast_in_dim3A_105 : vector<256x1xi32> to vector<256x2048xi32>
    %eq3A_113 = arith.cmpi eq, %iota3A, %eq3A_112 : vector<256x2048xi32>
    %jit3A_114 = arith.constant 0xFF800000 : f32
    %broadcast_in_dim3A_115 = vector.broadcast %jit3A_114 : f32 to vector<256x2048xf32>
    %select_n3A_116 = arith.select %eq3A_113, %broadcast_in_dim3A_115, %get3A_94 : vector<256x2048xi1>, vector<256x2048xf32>
    %swap3A_117 = arith.constant 0 : index
    %swap3A_118 = arith.constant 0 : index
    %swap3A_119 = vector.load %arg4[%swap3A_117, %swap3A_118] : memref<256x2048xf32, #tpu.memory_space<vmem>>, vector<256x2048xf32>
    tpu.vector_store %arg4[%swap3A_117, %swap3A_118], %select_n3A_116 {strides = array<i32>} : memref<256x2048xf32, #tpu.memory_space<vmem>>, vector<256x2048xf32>,
    %get3A_120 = arith.constant 0 : index
    %get3A_121 = arith.constant 0 : index
    %get3A_122 = vector.load %arg4[%get3A_120, %get3A_121] : memref<256x2048xf32, #tpu.memory_space<vmem>>, vector<256x2048xf32>
    %reduce_max3A_123 = arith.constant dense<0xFF800000> : vector<256xf32>
    %reduce_max3A_124 = vector.multi_reduction <maximumf>, %get3A_122, %reduce_max3A_123 [1] : vector<256x2048xf32> to vector<256xf32>
    %broadcast_in_dim3A_125 = vector.shape_cast %reduce_max3A_124 : vector<256xf32> to vector<256x1xf32>
    %eq3A_126 = vector.broadcast %broadcast_in_dim3A_125 : vector<256x1xf32> to vector<256x2048xf32>
    %eq3A_127 = arith.cmpf oeq, %get3A_122, %eq3A_126 : vector<256x2048xf32>
    %jit3A_128 = arith.constant 1073741824 : i32
    %broadcast_in_dim3A_129 = vector.broadcast %jit3A_128 : i32 to vector<256x2048xi32>
    %select_n3A_130 = arith.select %eq3A_127, %iota3A, %broadcast_in_dim3A_129 : vector<256x2048xi1>, vector<256x2048xi32>
    %reduce_min3A_131 = arith.constant dense<2147483647> : vector<256xi32>
    %reduce_min3A_132 = vector.multi_reduction <minsi>, %select_n3A_130, %reduce_min3A_131 [1] : vector<256x2048xi32> to vector<256xi32>
    %broadcast_in_dim3A_133 = vector.shape_cast %reduce_min3A_132 : vector<256xi32> to vector<256x1xi32>
    %swap3A_134 = arith.constant 0 : index
    %swap3A_135 = arith.constant 4 : index
    %swap3A_136 = vector.load %arg2[%swap3A_134, %swap3A_135] : memref<256x56xf32, #tpu.memory_space<vmem>>, vector<256x1xf32>
    tpu.vector_store %arg2[%swap3A_134, %swap3A_135], %broadcast_in_dim3A_125 {strides = array<i32>} : memref<256x56xf32, #tpu.memory_space<vmem>>, vector<256x1xf32>,
    %swap3A_137 = arith.constant 0 : index
    %swap3A_138 = arith.constant 4 : index
    %swap3A_139 = vector.load %arg3[%swap3A_137, %swap3A_138] : memref<256x56xi32, #tpu.memory_space<vmem>>, vector<256x1xi32>
    tpu.vector_store %arg3[%swap3A_137, %swap3A_138], %broadcast_in_dim3A_133 {strides = array<i32>} : memref<256x56xi32, #tpu.memory_space<vmem>>, vector<256x1xi32>,
    %eq3A_140 = vector.broadcast %broadcast_in_dim3A_133 : vector<256x1xi32> to vector<256x2048xi32>
    %eq3A_141 = arith.cmpi eq, %iota3A, %eq3A_140 : vector<256x2048xi32>
    %jit3A_142 = arith.constant 0xFF800000 : f32
    %broadcast_in_dim3A_143 = vector.broadcast %jit3A_142 : f32 to vector<256x2048xf32>
    %select_n3A_144 = arith.select %eq3A_141, %broadcast_in_dim3A_143, %get3A_122 : vector<256x2048xi1>, vector<256x2048xf32>
    %swap3A_145 = arith.constant 0 : index
    %swap3A_146 = arith.constant 0 : index
    %swap3A_147 = vector.load %arg4[%swap3A_145, %swap3A_146] : memref<256x2048xf32, #tpu.memory_space<vmem>>, vector<256x2048xf32>
    tpu.vector_store %arg4[%swap3A_145, %swap3A_146], %select_n3A_144 {strides = array<i32>} : memref<256x2048xf32, #tpu.memory_space<vmem>>, vector<256x2048xf32>,
    %get3A_148 = arith.constant 0 : index
    %get3A_149 = arith.constant 0 : index
    %get3A_150 = vector.load %arg4[%get3A_148, %get3A_149] : memref<256x2048xf32, #tpu.memory_space<vmem>>, vector<256x2048xf32>
    %reduce_max3A_151 = arith.constant dense<0xFF800000> : vector<256xf32>
    %reduce_max3A_152 = vector.multi_reduction <maximumf>, %get3A_150, %reduce_max3A_151 [1] : vector<256x2048xf32> to vector<256xf32>
    %broadcast_in_dim3A_153 = vector.shape_cast %reduce_max3A_152 : vector<256xf32> to vector<256x1xf32>
    %eq3A_154 = vector.broadcast %broadcast_in_dim3A_153 : vector<256x1xf32> to vector<256x2048xf32>
    %eq3A_155 = arith.cmpf oeq, %get3A_150, %eq3A_154 : vector<256x2048xf32>
    %jit3A_156 = arith.constant 1073741824 : i32
    %broadcast_in_dim3A_157 = vector.broadcast %jit3A_156 : i32 to vector<256x2048xi32>
    %select_n3A_158 = arith.select %eq3A_155, %iota3A, %broadcast_in_dim3A_157 : vector<256x2048xi1>, vector<256x2048xi32>
    %reduce_min3A_159 = arith.constant dense<2147483647> : vector<256xi32>
    %reduce_min3A_160 = vector.multi_reduction <minsi>, %select_n3A_158, %reduce_min3A_159 [1] : vector<256x2048xi32> to vector<256xi32>
    %broadcast_in_dim3A_161 = vector.shape_cast %reduce_min3A_160 : vector<256xi32> to vector<256x1xi32>
    %swap3A_162 = arith.constant 0 : index
    %swap3A_163 = arith.constant 5 : index
    %swap3A_164 = vector.load %arg2[%swap3A_162, %swap3A_163] : memref<256x56xf32, #tpu.memory_space<vmem>>, vector<256x1xf32>
    tpu.vector_store %arg2[%swap3A_162, %swap3A_163], %broadcast_in_dim3A_153 {strides = array<i32>} : memref<256x56xf32, #tpu.memory_space<vmem>>, vector<256x1xf32>,
    %swap3A_165 = arith.constant 0 : index
    %swap3A_166 = arith.constant 5 : index
    %swap3A_167 = vector.load %arg3[%swap3A_165, %swap3A_166] : memref<256x56xi32, #tpu.memory_space<vmem>>, vector<256x1xi32>
    tpu.vector_store %arg3[%swap3A_165, %swap3A_166], %broadcast_in_dim3A_161 {strides = array<i32>} : memref<256x56xi32, #tpu.memory_space<vmem>>, vector<256x1xi32>,
    %eq3A_168 = vector.broadcast %broadcast_in_dim3A_161 : vector<256x1xi32> to vector<256x2048xi32>
    %eq3A_169 = arith.cmpi eq, %iota3A, %eq3A_168 : vector<256x2048xi32>
    %jit3A_170 = arith.constant 0xFF800000 : f32
    %broadcast_in_dim3A_171 = vector.broadcast %jit3A_170 : f32 to vector<256x2048xf32>
    %select_n3A_172 = arith.select %eq3A_169, %broadcast_in_dim3A_171, %get3A_150 : vector<256x2048xi1>, vector<256x2048xf32>
    %swap3A_173 = arith.constant 0 : index
    %swap3A_174 = arith.constant 0 : index
    %swap3A_175 = vector.load %arg4[%swap3A_173, %swap3A_174] : memref<256x2048xf32, #tpu.memory_space<vmem>>, vector<256x2048xf32>
    tpu.vector_store %arg4[%swap3A_173, %swap3A_174], %select_n3A_172 {strides = array<i32>} : memref<256x2048xf32, #tpu.memory_space<vmem>>, vector<256x2048xf32>,
    %get3A_176 = arith.constant 0 : index
    %get3A_177 = arith.constant 0 : index
    %get3A_178 = vector.load %arg4[%get3A_176, %get3A_177] : memref<256x2048xf32, #tpu.memory_space<vmem>>, vector<256x2048xf32>
    %reduce_max3A_179 = arith.constant dense<0xFF800000> : vector<256xf32>
    %reduce_max3A_180 = vector.multi_reduction <maximumf>, %get3A_178, %reduce_max3A_179 [1] : vector<256x2048xf32> to vector<256xf32>
    %broadcast_in_dim3A_181 = vector.shape_cast %reduce_max3A_180 : vector<256xf32> to vector<256x1xf32>
    %eq3A_182 = vector.broadcast %broadcast_in_dim3A_181 : vector<256x1xf32> to vector<256x2048xf32>
    %eq3A_183 = arith.cmpf oeq, %get3A_178, %eq3A_182 : vector<256x2048xf32>
    %jit3A_184 = arith.constant 1073741824 : i32
    %broadcast_in_dim3A_185 = vector.broadcast %jit3A_184 : i32 to vector<256x2048xi32>
    %select_n3A_186 = arith.select %eq3A_183, %iota3A, %broadcast_in_dim3A_185 : vector<256x2048xi1>, vector<256x2048xi32>
    %reduce_min3A_187 = arith.constant dense<2147483647> : vector<256xi32>
    %reduce_min3A_188 = vector.multi_reduction <minsi>, %select_n3A_186, %reduce_min3A_187 [1] : vector<256x2048xi32> to vector<256xi32>
    %broadcast_in_dim3A_189 = vector.shape_cast %reduce_min3A_188 : vector<256xi32> to vector<256x1xi32>
    %swap3A_190 = arith.constant 0 : index
    %swap3A_191 = arith.constant 6 : index
    %swap3A_192 = vector.load %arg2[%swap3A_190, %swap3A_191] : memref<256x56xf32, #tpu.memory_space<vmem>>, vector<256x1xf32>
    tpu.vector_store %arg2[%swap3A_190, %swap3A_191], %broadcast_in_dim3A_181 {strides = array<i32>} : memref<256x56xf32, #tpu.memory_space<vmem>>, vector<256x1xf32>,
    %swap3A_193 = arith.constant 0 : index
    %swap3A_194 = arith.constant 6 : index
    %swap3A_195 = vector.load %arg3[%swap3A_193, %swap3A_194] : memref<256x56xi32, #tpu.memory_space<vmem>>, vector<256x1xi32>
    tpu.vector_store %arg3[%swap3A_193, %swap3A_194], %broadcast_in_dim3A_189 {strides = array<i32>} : memref<256x56xi32, #tpu.memory_space<vmem>>, vector<256x1xi32>,
    %eq3A_196 = vector.broadcast %broadcast_in_dim3A_189 : vector<256x1xi32> to vector<256x2048xi32>
    %eq3A_197 = arith.cmpi eq, %iota3A, %eq3A_196 : vector<256x2048xi32>
    %jit3A_198 = arith.constant 0xFF800000 : f32
    %broadcast_in_dim3A_199 = vector.broadcast %jit3A_198 : f32 to vector<256x2048xf32>
    %select_n3A_200 = arith.select %eq3A_197, %broadcast_in_dim3A_199, %get3A_178 : vector<256x2048xi1>, vector<256x2048xf32>
    %swap3A_201 = arith.constant 0 : index
    %swap3A_202 = arith.constant 0 : index
    %swap3A_203 = vector.load %arg4[%swap3A_201, %swap3A_202] : memref<256x2048xf32, #tpu.memory_space<vmem>>, vector<256x2048xf32>
    tpu.vector_store %arg4[%swap3A_201, %swap3A_202], %select_n3A_200 {strides = array<i32>} : memref<256x2048xf32, #tpu.memory_space<vmem>>, vector<256x2048xf32>,
    %get3A_204 = arith.constant 0 : index
    %get3A_205 = arith.constant 0 : index
    %get3A_206 = vector.load %arg4[%get3A_204, %get3A_205] : memref<256x2048xf32, #tpu.memory_space<vmem>>, vector<256x2048xf32>
    %reduce_max3A_207 = arith.constant dense<0xFF800000> : vector<256xf32>
    %reduce_max3A_208 = vector.multi_reduction <maximumf>, %get3A_206, %reduce_max3A_207 [1] : vector<256x2048xf32> to vector<256xf32>
    %broadcast_in_dim3A_209 = vector.shape_cast %reduce_max3A_208 : vector<256xf32> to vector<256x1xf32>
    %eq3A_210 = vector.broadcast %broadcast_in_dim3A_209 : vector<256x1xf32> to vector<256x2048xf32>
    %eq3A_211 = arith.cmpf oeq, %get3A_206, %eq3A_210 : vector<256x2048xf32>
    %jit3A_212 = arith.constant 1073741824 : i32
    %broadcast_in_dim3A_213 = vector.broadcast %jit3A_212 : i32 to vector<256x2048xi32>
    %select_n3A_214 = arith.select %eq3A_211, %iota3A, %broadcast_in_dim3A_213 : vector<256x2048xi1>, vector<256x2048xi32>
    %reduce_min3A_215 = arith.constant dense<2147483647> : vector<256xi32>
    %reduce_min3A_216 = vector.multi_reduction <minsi>, %select_n3A_214, %reduce_min3A_215 [1] : vector<256x2048xi32> to vector<256xi32>
    %broadcast_in_dim3A_217 = vector.shape_cast %reduce_min3A_216 : vector<256xi32> to vector<256x1xi32>
    %swap3A_218 = arith.constant 0 : index
    %swap3A_219 = arith.constant 7 : index
    %swap3A_220 = vector.load %arg2[%swap3A_218, %swap3A_219] : memref<256x56xf32, #tpu.memory_space<vmem>>, vector<256x1xf32>
    tpu.vector_store %arg2[%swap3A_218, %swap3A_219], %broadcast_in_dim3A_209 {strides = array<i32>} : memref<256x56xf32, #tpu.memory_space<vmem>>, vector<256x1xf32>,
    %swap3A_221 = arith.constant 0 : index
    %swap3A_222 = arith.constant 7 : index
    %swap3A_223 = vector.load %arg3[%swap3A_221, %swap3A_222] : memref<256x56xi32, #tpu.memory_space<vmem>>, vector<256x1xi32>
    tpu.vector_store %arg3[%swap3A_221, %swap3A_222], %broadcast_in_dim3A_217 {strides = array<i32>} : memref<256x56xi32, #tpu.memory_space<vmem>>, vector<256x1xi32>,
    %eq3A_224 = vector.broadcast %broadcast_in_dim3A_217 : vector<256x1xi32> to vector<256x2048xi32>
    %eq3A_225 = arith.cmpi eq, %iota3A, %eq3A_224 : vector<256x2048xi32>
    %jit3A_226 = arith.constant 0xFF800000 : f32
    %broadcast_in_dim3A_227 = vector.broadcast %jit3A_226 : f32 to vector<256x2048xf32>
    %select_n3A_228 = arith.select %eq3A_225, %broadcast_in_dim3A_227, %get3A_206 : vector<256x2048xi1>, vector<256x2048xf32>
    %swap3A_229 = arith.constant 0 : index
    %swap3A_230 = arith.constant 0 : index
    %swap3A_231 = vector.load %arg4[%swap3A_229, %swap3A_230] : memref<256x2048xf32, #tpu.memory_space<vmem>>, vector<256x2048xf32>
    tpu.vector_store %arg4[%swap3A_229, %swap3A_230], %select_n3A_228 {strides = array<i32>} : memref<256x2048xf32, #tpu.memory_space<vmem>>, vector<256x2048xf32>,
    %get3A_232 = arith.constant 0 : index
    %get3A_233 = arith.constant 0 : index
    %get3A_234 = vector.load %arg4[%get3A_232, %get3A_233] : memref<256x2048xf32, #tpu.memory_space<vmem>>, vector<256x2048xf32>
    %reduce_max3A_235 = arith.constant dense<0xFF800000> : vector<256xf32>
    %reduce_max3A_236 = vector.multi_reduction <maximumf>, %get3A_234, %reduce_max3A_235 [1] : vector<256x2048xf32> to vector<256xf32>
    %broadcast_in_dim3A_237 = vector.shape_cast %reduce_max3A_236 : vector<256xf32> to vector<256x1xf32>
    %eq3A_238 = vector.broadcast %broadcast_in_dim3A_237 : vector<256x1xf32> to vector<256x2048xf32>
    %eq3A_239 = arith.cmpf oeq, %get3A_234, %eq3A_238 : vector<256x2048xf32>
    %jit3A_240 = arith.constant 1073741824 : i32
    %broadcast_in_dim3A_241 = vector.broadcast %jit3A_240 : i32 to vector<256x2048xi32>
    %select_n3A_242 = arith.select %eq3A_239, %iota3A, %broadcast_in_dim3A_241 : vector<256x2048xi1>, vector<256x2048xi32>
    %reduce_min3A_243 = arith.constant dense<2147483647> : vector<256xi32>
    %reduce_min3A_244 = vector.multi_reduction <minsi>, %select_n3A_242, %reduce_min3A_243 [1] : vector<256x2048xi32> to vector<256xi32>
    %broadcast_in_dim3A_245 = vector.shape_cast %reduce_min3A_244 : vector<256xi32> to vector<256x1xi32>
    %swap3A_246 = arith.constant 0 : index
    %swap3A_247 = arith.constant 8 : index
    %swap3A_248 = vector.load %arg2[%swap3A_246, %swap3A_247] : memref<256x56xf32, #tpu.memory_space<vmem>>, vector<256x1xf32>
    tpu.vector_store %arg2[%swap3A_246, %swap3A_247], %broadcast_in_dim3A_237 {strides = array<i32>} : memref<256x56xf32, #tpu.memory_space<vmem>>, vector<256x1xf32>,
    %swap3A_249 = arith.constant 0 : index
    %swap3A_250 = arith.constant 8 : index
    %swap3A_251 = vector.load %arg3[%swap3A_249, %swap3A_250] : memref<256x56xi32, #tpu.memory_space<vmem>>, vector<256x1xi32>
    tpu.vector_store %arg3[%swap3A_249, %swap3A_250], %broadcast_in_dim3A_245 {strides = array<i32>} : memref<256x56xi32, #tpu.memory_space<vmem>>, vector<256x1xi32>,
    %eq3A_252 = vector.broadcast %broadcast_in_dim3A_245 : vector<256x1xi32> to vector<256x2048xi32>
    %eq3A_253 = arith.cmpi eq, %iota3A, %eq3A_252 : vector<256x2048xi32>
    %jit3A_254 = arith.constant 0xFF800000 : f32
    %broadcast_in_dim3A_255 = vector.broadcast %jit3A_254 : f32 to vector<256x2048xf32>
    %select_n3A_256 = arith.select %eq3A_253, %broadcast_in_dim3A_255, %get3A_234 : vector<256x2048xi1>, vector<256x2048xf32>
    %swap3A_257 = arith.constant 0 : index
    %swap3A_258 = arith.constant 0 : index
    %swap3A_259 = vector.load %arg4[%swap3A_257, %swap3A_258] : memref<256x2048xf32, #tpu.memory_space<vmem>>, vector<256x2048xf32>
    tpu.vector_store %arg4[%swap3A_257, %swap3A_258], %select_n3A_256 {strides = array<i32>} : memref<256x2048xf32, #tpu.memory_space<vmem>>, vector<256x2048xf32>,
    %get3A_260 = arith.constant 0 : index
    %get3A_261 = arith.constant 0 : index
    %get3A_262 = vector.load %arg4[%get3A_260, %get3A_261] : memref<256x2048xf32, #tpu.memory_space<vmem>>, vector<256x2048xf32>
    %reduce_max3A_263 = arith.constant dense<0xFF800000> : vector<256xf32>
    %reduce_max3A_264 = vector.multi_reduction <maximumf>, %get3A_262, %reduce_max3A_263 [1] : vector<256x2048xf32> to vector<256xf32>
    %broadcast_in_dim3A_265 = vector.shape_cast %reduce_max3A_264 : vector<256xf32> to vector<256x1xf32>
    %eq3A_266 = vector.broadcast %broadcast_in_dim3A_265 : vector<256x1xf32> to vector<256x2048xf32>
    %eq3A_267 = arith.cmpf oeq, %get3A_262, %eq3A_266 : vector<256x2048xf32>
    %jit3A_268 = arith.constant 1073741824 : i32
    %broadcast_in_dim3A_269 = vector.broadcast %jit3A_268 : i32 to vector<256x2048xi32>
    %select_n3A_270 = arith.select %eq3A_267, %iota3A, %broadcast_in_dim3A_269 : vector<256x2048xi1>, vector<256x2048xi32>
    %reduce_min3A_271 = arith.constant dense<2147483647> : vector<256xi32>
    %reduce_min3A_272 = vector.multi_reduction <minsi>, %select_n3A_270, %reduce_min3A_271 [1] : vector<256x2048xi32> to vector<256xi32>
    %broadcast_in_dim3A_273 = vector.shape_cast %reduce_min3A_272 : vector<256xi32> to vector<256x1xi32>
    %swap3A_274 = arith.constant 0 : index
    %swap3A_275 = arith.constant 9 : index
    %swap3A_276 = vector.load %arg2[%swap3A_274, %swap3A_275] : memref<256x56xf32, #tpu.memory_space<vmem>>, vector<256x1xf32>
    tpu.vector_store %arg2[%swap3A_274, %swap3A_275], %broadcast_in_dim3A_265 {strides = array<i32>} : memref<256x56xf32, #tpu.memory_space<vmem>>, vector<256x1xf32>,
    %swap3A_277 = arith.constant 0 : index
    %swap3A_278 = arith.constant 9 : index
    %swap3A_279 = vector.load %arg3[%swap3A_277, %swap3A_278] : memref<256x56xi32, #tpu.memory_space<vmem>>, vector<256x1xi32>
    tpu.vector_store %arg3[%swap3A_277, %swap3A_278], %broadcast_in_dim3A_273 {strides = array<i32>} : memref<256x56xi32, #tpu.memory_space<vmem>>, vector<256x1xi32>,
    %eq3A_280 = vector.broadcast %broadcast_in_dim3A_273 : vector<256x1xi32> to vector<256x2048xi32>
    %eq3A_281 = arith.cmpi eq, %iota3A, %eq3A_280 : vector<256x2048xi32>
    %jit3A_282 = arith.constant 0xFF800000 : f32
    %broadcast_in_dim3A_283 = vector.broadcast %jit3A_282 : f32 to vector<256x2048xf32>
    %select_n3A_284 = arith.select %eq3A_281, %broadcast_in_dim3A_283, %get3A_262 : vector<256x2048xi1>, vector<256x2048xf32>
    %swap3A_285 = arith.constant 0 : index
    %swap3A_286 = arith.constant 0 : index
    %swap3A_287 = vector.load %arg4[%swap3A_285, %swap3A_286] : memref<256x2048xf32, #tpu.memory_space<vmem>>, vector<256x2048xf32>
    tpu.vector_store %arg4[%swap3A_285, %swap3A_286], %select_n3A_284 {strides = array<i32>} : memref<256x2048xf32, #tpu.memory_space<vmem>>, vector<256x2048xf32>,
    %get3A_288 = arith.constant 0 : index
    %get3A_289 = arith.constant 0 : index
    %get3A_290 = vector.load %arg4[%get3A_288, %get3A_289] : memref<256x2048xf32, #tpu.memory_space<vmem>>, vector<256x2048xf32>
    %reduce_max3A_291 = arith.constant dense<0xFF800000> : vector<256xf32>
    %reduce_max3A_292 = vector.multi_reduction <maximumf>, %get3A_290, %reduce_max3A_291 [1] : vector<256x2048xf32> to vector<256xf32>
    %broadcast_in_dim3A_293 = vector.shape_cast %reduce_max3A_292 : vector<256xf32> to vector<256x1xf32>
    %eq3A_294 = vector.broadcast %broadcast_in_dim3A_293 : vector<256x1xf32> to vector<256x2048xf32>
    %eq3A_295 = arith.cmpf oeq, %get3A_290, %eq3A_294 : vector<256x2048xf32>
    %jit3A_296 = arith.constant 1073741824 : i32
    %broadcast_in_dim3A_297 = vector.broadcast %jit3A_296 : i32 to vector<256x2048xi32>
    %select_n3A_298 = arith.select %eq3A_295, %iota3A, %broadcast_in_dim3A_297 : vector<256x2048xi1>, vector<256x2048xi32>
    %reduce_min3A_299 = arith.constant dense<2147483647> : vector<256xi32>
    %reduce_min3A_300 = vector.multi_reduction <minsi>, %select_n3A_298, %reduce_min3A_299 [1] : vector<256x2048xi32> to vector<256xi32>
    %broadcast_in_dim3A_301 = vector.shape_cast %reduce_min3A_300 : vector<256xi32> to vector<256x1xi32>
    %swap3A_302 = arith.constant 0 : index
    %swap3A_303 = arith.constant 10 : index
    %swap3A_304 = vector.load %arg2[%swap3A_302, %swap3A_303] : memref<256x56xf32, #tpu.memory_space<vmem>>, vector<256x1xf32>
    tpu.vector_store %arg2[%swap3A_302, %swap3A_303], %broadcast_in_dim3A_293 {strides = array<i32>} : memref<256x56xf32, #tpu.memory_space<vmem>>, vector<256x1xf32>,
    %swap3A_305 = arith.constant 0 : index
    %swap3A_306 = arith.constant 10 : index
    %swap3A_307 = vector.load %arg3[%swap3A_305, %swap3A_306] : memref<256x56xi32, #tpu.memory_space<vmem>>, vector<256x1xi32>
    tpu.vector_store %arg3[%swap3A_305, %swap3A_306], %broadcast_in_dim3A_301 {strides = array<i32>} : memref<256x56xi32, #tpu.memory_space<vmem>>, vector<256x1xi32>,
    %eq3A_308 = vector.broadcast %broadcast_in_dim3A_301 : vector<256x1xi32> to vector<256x2048xi32>
    %eq3A_309 = arith.cmpi eq, %iota3A, %eq3A_308 : vector<256x2048xi32>
    %jit3A_310 = arith.constant 0xFF800000 : f32
    %broadcast_in_dim3A_311 = vector.broadcast %jit3A_310 : f32 to vector<256x2048xf32>
    %select_n3A_312 = arith.select %eq3A_309, %broadcast_in_dim3A_311, %get3A_290 : vector<256x2048xi1>, vector<256x2048xf32>
    %swap3A_313 = arith.constant 0 : index
    %swap3A_314 = arith.constant 0 : index
    %swap3A_315 = vector.load %arg4[%swap3A_313, %swap3A_314] : memref<256x2048xf32, #tpu.memory_space<vmem>>, vector<256x2048xf32>
    tpu.vector_store %arg4[%swap3A_313, %swap3A_314], %select_n3A_312 {strides = array<i32>} : memref<256x2048xf32, #tpu.memory_space<vmem>>, vector<256x2048xf32>,
    %get3A_316 = arith.constant 0 : index
    %get3A_317 = arith.constant 0 : index
    %get3A_318 = vector.load %arg4[%get3A_316, %get3A_317] : memref<256x2048xf32, #tpu.memory_space<vmem>>, vector<256x2048xf32>
    %reduce_max3A_319 = arith.constant dense<0xFF800000> : vector<256xf32>
    %reduce_max3A_320 = vector.multi_reduction <maximumf>, %get3A_318, %reduce_max3A_319 [1] : vector<256x2048xf32> to vector<256xf32>
    %broadcast_in_dim3A_321 = vector.shape_cast %reduce_max3A_320 : vector<256xf32> to vector<256x1xf32>
    %eq3A_322 = vector.broadcast %broadcast_in_dim3A_321 : vector<256x1xf32> to vector<256x2048xf32>
    %eq3A_323 = arith.cmpf oeq, %get3A_318, %eq3A_322 : vector<256x2048xf32>
    %jit3A_324 = arith.constant 1073741824 : i32
    %broadcast_in_dim3A_325 = vector.broadcast %jit3A_324 : i32 to vector<256x2048xi32>
    %select_n3A_326 = arith.select %eq3A_323, %iota3A, %broadcast_in_dim3A_325 : vector<256x2048xi1>, vector<256x2048xi32>
    %reduce_min3A_327 = arith.constant dense<2147483647> : vector<256xi32>
    %reduce_min3A_328 = vector.multi_reduction <minsi>, %select_n3A_326, %reduce_min3A_327 [1] : vector<256x2048xi32> to vector<256xi32>
    %broadcast_in_dim3A_329 = vector.shape_cast %reduce_min3A_328 : vector<256xi32> to vector<256x1xi32>
    %swap3A_330 = arith.constant 0 : index
    %swap3A_331 = arith.constant 11 : index
    %swap3A_332 = vector.load %arg2[%swap3A_330, %swap3A_331] : memref<256x56xf32, #tpu.memory_space<vmem>>, vector<256x1xf32>
    tpu.vector_store %arg2[%swap3A_330, %swap3A_331], %broadcast_in_dim3A_321 {strides = array<i32>} : memref<256x56xf32, #tpu.memory_space<vmem>>, vector<256x1xf32>,
    %swap3A_333 = arith.constant 0 : index
    %swap3A_334 = arith.constant 11 : index
    %swap3A_335 = vector.load %arg3[%swap3A_333, %swap3A_334] : memref<256x56xi32, #tpu.memory_space<vmem>>, vector<256x1xi32>
    tpu.vector_store %arg3[%swap3A_333, %swap3A_334], %broadcast_in_dim3A_329 {strides = array<i32>} : memref<256x56xi32, #tpu.memory_space<vmem>>, vector<256x1xi32>,
    %eq3A_336 = vector.broadcast %broadcast_in_dim3A_329 : vector<256x1xi32> to vector<256x2048xi32>
    %eq3A_337 = arith.cmpi eq, %iota3A, %eq3A_336 : vector<256x2048xi32>
    %jit3A_338 = arith.constant 0xFF800000 : f32
    %broadcast_in_dim3A_339 = vector.broadcast %jit3A_338 : f32 to vector<256x2048xf32>
    %select_n3A_340 = arith.select %eq3A_337, %broadcast_in_dim3A_339, %get3A_318 : vector<256x2048xi1>, vector<256x2048xf32>
    %swap3A_341 = arith.constant 0 : index
    %swap3A_342 = arith.constant 0 : index
    %swap3A_343 = vector.load %arg4[%swap3A_341, %swap3A_342] : memref<256x2048xf32, #tpu.memory_space<vmem>>, vector<256x2048xf32>
    tpu.vector_store %arg4[%swap3A_341, %swap3A_342], %select_n3A_340 {strides = array<i32>} : memref<256x2048xf32, #tpu.memory_space<vmem>>, vector<256x2048xf32>,
    %get3A_344 = arith.constant 0 : index
    %get3A_345 = arith.constant 0 : index
    %get3A_346 = vector.load %arg4[%get3A_344, %get3A_345] : memref<256x2048xf32, #tpu.memory_space<vmem>>, vector<256x2048xf32>
    %reduce_max3A_347 = arith.constant dense<0xFF800000> : vector<256xf32>
    %reduce_max3A_348 = vector.multi_reduction <maximumf>, %get3A_346, %reduce_max3A_347 [1] : vector<256x2048xf32> to vector<256xf32>
    %broadcast_in_dim3A_349 = vector.shape_cast %reduce_max3A_348 : vector<256xf32> to vector<256x1xf32>
    %eq3A_350 = vector.broadcast %broadcast_in_dim3A_349 : vector<256x1xf32> to vector<256x2048xf32>
    %eq3A_351 = arith.cmpf oeq, %get3A_346, %eq3A_350 : vector<256x2048xf32>
    %jit3A_352 = arith.constant 1073741824 : i32
    %broadcast_in_dim3A_353 = vector.broadcast %jit3A_352 : i32 to vector<256x2048xi32>
    %select_n3A_354 = arith.select %eq3A_351, %iota3A, %broadcast_in_dim3A_353 : vector<256x2048xi1>, vector<256x2048xi32>
    %reduce_min3A_355 = arith.constant dense<2147483647> : vector<256xi32>
    %reduce_min3A_356 = vector.multi_reduction <minsi>, %select_n3A_354, %reduce_min3A_355 [1] : vector<256x2048xi32> to vector<256xi32>
    %broadcast_in_dim3A_357 = vector.shape_cast %reduce_min3A_356 : vector<256xi32> to vector<256x1xi32>
    %swap3A_358 = arith.constant 0 : index
    %swap3A_359 = arith.constant 12 : index
    %swap3A_360 = vector.load %arg2[%swap3A_358, %swap3A_359] : memref<256x56xf32, #tpu.memory_space<vmem>>, vector<256x1xf32>
    tpu.vector_store %arg2[%swap3A_358, %swap3A_359], %broadcast_in_dim3A_349 {strides = array<i32>} : memref<256x56xf32, #tpu.memory_space<vmem>>, vector<256x1xf32>,
    %swap3A_361 = arith.constant 0 : index
    %swap3A_362 = arith.constant 12 : index
    %swap3A_363 = vector.load %arg3[%swap3A_361, %swap3A_362] : memref<256x56xi32, #tpu.memory_space<vmem>>, vector<256x1xi32>
    tpu.vector_store %arg3[%swap3A_361, %swap3A_362], %broadcast_in_dim3A_357 {strides = array<i32>} : memref<256x56xi32, #tpu.memory_space<vmem>>, vector<256x1xi32>,
    %eq3A_364 = vector.broadcast %broadcast_in_dim3A_357 : vector<256x1xi32> to vector<256x2048xi32>
    %eq3A_365 = arith.cmpi eq, %iota3A, %eq3A_364 : vector<256x2048xi32>
    %jit3A_366 = arith.constant 0xFF800000 : f32
    %broadcast_in_dim3A_367 = vector.broadcast %jit3A_366 : f32 to vector<256x2048xf32>
    %select_n3A_368 = arith.select %eq3A_365, %broadcast_in_dim3A_367, %get3A_346 : vector<256x2048xi1>, vector<256x2048xf32>
    %swap3A_369 = arith.constant 0 : index
    %swap3A_370 = arith.constant 0 : index
    %swap3A_371 = vector.load %arg4[%swap3A_369, %swap3A_370] : memref<256x2048xf32, #tpu.memory_space<vmem>>, vector<256x2048xf32>
    tpu.vector_store %arg4[%swap3A_369, %swap3A_370], %select_n3A_368 {strides = array<i32>} : memref<256x2048xf32, #tpu.memory_space<vmem>>, vector<256x2048xf32>,
    %get3A_372 = arith.constant 0 : index
    %get3A_373 = arith.constant 0 : index
    %get3A_374 = vector.load %arg4[%get3A_372, %get3A_373] : memref<256x2048xf32, #tpu.memory_space<vmem>>, vector<256x2048xf32>
    %reduce_max3A_375 = arith.constant dense<0xFF800000> : vector<256xf32>
    %reduce_max3A_376 = vector.multi_reduction <maximumf>, %get3A_374, %reduce_max3A_375 [1] : vector<256x2048xf32> to vector<256xf32>
    %broadcast_in_dim3A_377 = vector.shape_cast %reduce_max3A_376 : vector<256xf32> to vector<256x1xf32>
    %eq3A_378 = vector.broadcast %broadcast_in_dim3A_377 : vector<256x1xf32> to vector<256x2048xf32>
    %eq3A_379 = arith.cmpf oeq, %get3A_374, %eq3A_378 : vector<256x2048xf32>
    %jit3A_380 = arith.constant 1073741824 : i32
    %broadcast_in_dim3A_381 = vector.broadcast %jit3A_380 : i32 to vector<256x2048xi32>
    %select_n3A_382 = arith.select %eq3A_379, %iota3A, %broadcast_in_dim3A_381 : vector<256x2048xi1>, vector<256x2048xi32>
    %reduce_min3A_383 = arith.constant dense<2147483647> : vector<256xi32>
    %reduce_min3A_384 = vector.multi_reduction <minsi>, %select_n3A_382, %reduce_min3A_383 [1] : vector<256x2048xi32> to vector<256xi32>
    %broadcast_in_dim3A_385 = vector.shape_cast %reduce_min3A_384 : vector<256xi32> to vector<256x1xi32>
    %swap3A_386 = arith.constant 0 : index
    %swap3A_387 = arith.constant 13 : index
    %swap3A_388 = vector.load %arg2[%swap3A_386, %swap3A_387] : memref<256x56xf32, #tpu.memory_space<vmem>>, vector<256x1xf32>
    tpu.vector_store %arg2[%swap3A_386, %swap3A_387], %broadcast_in_dim3A_377 {strides = array<i32>} : memref<256x56xf32, #tpu.memory_space<vmem>>, vector<256x1xf32>,
    %swap3A_389 = arith.constant 0 : index
    %swap3A_390 = arith.constant 13 : index
    %swap3A_391 = vector.load %arg3[%swap3A_389, %swap3A_390] : memref<256x56xi32, #tpu.memory_space<vmem>>, vector<256x1xi32>
    tpu.vector_store %arg3[%swap3A_389, %swap3A_390], %broadcast_in_dim3A_385 {strides = array<i32>} : memref<256x56xi32, #tpu.memory_space<vmem>>, vector<256x1xi32>,
    %eq3A_392 = vector.broadcast %broadcast_in_dim3A_385 : vector<256x1xi32> to vector<256x2048xi32>
    %eq3A_393 = arith.cmpi eq, %iota3A, %eq3A_392 : vector<256x2048xi32>
    %jit3A_394 = arith.constant 0xFF800000 : f32
    %broadcast_in_dim3A_395 = vector.broadcast %jit3A_394 : f32 to vector<256x2048xf32>
    %select_n3A_396 = arith.select %eq3A_393, %broadcast_in_dim3A_395, %get3A_374 : vector<256x2048xi1>, vector<256x2048xf32>
    %swap3A_397 = arith.constant 0 : index
    %swap3A_398 = arith.constant 0 : index
    %swap3A_399 = vector.load %arg4[%swap3A_397, %swap3A_398] : memref<256x2048xf32, #tpu.memory_space<vmem>>, vector<256x2048xf32>
    tpu.vector_store %arg4[%swap3A_397, %swap3A_398], %select_n3A_396 {strides = array<i32>} : memref<256x2048xf32, #tpu.memory_space<vmem>>, vector<256x2048xf32>,
    %get3A_400 = arith.constant 0 : index
    %get3A_401 = arith.constant 0 : index
    %get3A_402 = vector.load %arg4[%get3A_400, %get3A_401] : memref<256x2048xf32, #tpu.memory_space<vmem>>, vector<256x2048xf32>
    %reduce_max3A_403 = arith.constant dense<0xFF800000> : vector<256xf32>
    %reduce_max3A_404 = vector.multi_reduction <maximumf>, %get3A_402, %reduce_max3A_403 [1] : vector<256x2048xf32> to vector<256xf32>
    %broadcast_in_dim3A_405 = vector.shape_cast %reduce_max3A_404 : vector<256xf32> to vector<256x1xf32>
    %eq3A_406 = vector.broadcast %broadcast_in_dim3A_405 : vector<256x1xf32> to vector<256x2048xf32>
    %eq3A_407 = arith.cmpf oeq, %get3A_402, %eq3A_406 : vector<256x2048xf32>
    %jit3A_408 = arith.constant 1073741824 : i32
    %broadcast_in_dim3A_409 = vector.broadcast %jit3A_408 : i32 to vector<256x2048xi32>
    %select_n3A_410 = arith.select %eq3A_407, %iota3A, %broadcast_in_dim3A_409 : vector<256x2048xi1>, vector<256x2048xi32>
    %reduce_min3A_411 = arith.constant dense<2147483647> : vector<256xi32>
    %reduce_min3A_412 = vector.multi_reduction <minsi>, %select_n3A_410, %reduce_min3A_411 [1] : vector<256x2048xi32> to vector<256xi32>
    %broadcast_in_dim3A_413 = vector.shape_cast %reduce_min3A_412 : vector<256xi32> to vector<256x1xi32>
    %swap3A_414 = arith.constant 0 : index
    %swap3A_415 = arith.constant 14 : index
    %swap3A_416 = vector.load %arg2[%swap3A_414, %swap3A_415] : memref<256x56xf32, #tpu.memory_space<vmem>>, vector<256x1xf32>
    tpu.vector_store %arg2[%swap3A_414, %swap3A_415], %broadcast_in_dim3A_405 {strides = array<i32>} : memref<256x56xf32, #tpu.memory_space<vmem>>, vector<256x1xf32>,
    %swap3A_417 = arith.constant 0 : index
    %swap3A_418 = arith.constant 14 : index
    %swap3A_419 = vector.load %arg3[%swap3A_417, %swap3A_418] : memref<256x56xi32, #tpu.memory_space<vmem>>, vector<256x1xi32>
    tpu.vector_store %arg3[%swap3A_417, %swap3A_418], %broadcast_in_dim3A_413 {strides = array<i32>} : memref<256x56xi32, #tpu.memory_space<vmem>>, vector<256x1xi32>,
    %eq3A_420 = vector.broadcast %broadcast_in_dim3A_413 : vector<256x1xi32> to vector<256x2048xi32>
    %eq3A_421 = arith.cmpi eq, %iota3A, %eq3A_420 : vector<256x2048xi32>
    %jit3A_422 = arith.constant 0xFF800000 : f32
    %broadcast_in_dim3A_423 = vector.broadcast %jit3A_422 : f32 to vector<256x2048xf32>
    %select_n3A_424 = arith.select %eq3A_421, %broadcast_in_dim3A_423, %get3A_402 : vector<256x2048xi1>, vector<256x2048xf32>
    %swap3A_425 = arith.constant 0 : index
    %swap3A_426 = arith.constant 0 : index
    %swap3A_427 = vector.load %arg4[%swap3A_425, %swap3A_426] : memref<256x2048xf32, #tpu.memory_space<vmem>>, vector<256x2048xf32>
    tpu.vector_store %arg4[%swap3A_425, %swap3A_426], %select_n3A_424 {strides = array<i32>} : memref<256x2048xf32, #tpu.memory_space<vmem>>, vector<256x2048xf32>,
    %get3A_428 = arith.constant 0 : index
    %get3A_429 = arith.constant 0 : index
    %get3A_430 = vector.load %arg4[%get3A_428, %get3A_429] : memref<256x2048xf32, #tpu.memory_space<vmem>>, vector<256x2048xf32>
    %reduce_max3A_431 = arith.constant dense<0xFF800000> : vector<256xf32>
    %reduce_max3A_432 = vector.multi_reduction <maximumf>, %get3A_430, %reduce_max3A_431 [1] : vector<256x2048xf32> to vector<256xf32>
    %broadcast_in_dim3A_433 = vector.shape_cast %reduce_max3A_432 : vector<256xf32> to vector<256x1xf32>
    %eq3A_434 = vector.broadcast %broadcast_in_dim3A_433 : vector<256x1xf32> to vector<256x2048xf32>
    %eq3A_435 = arith.cmpf oeq, %get3A_430, %eq3A_434 : vector<256x2048xf32>
    %jit3A_436 = arith.constant 1073741824 : i32
    %broadcast_in_dim3A_437 = vector.broadcast %jit3A_436 : i32 to vector<256x2048xi32>
    %select_n3A_438 = arith.select %eq3A_435, %iota3A, %broadcast_in_dim3A_437 : vector<256x2048xi1>, vector<256x2048xi32>
    %reduce_min3A_439 = arith.constant dense<2147483647> : vector<256xi32>
    %reduce_min3A_440 = vector.multi_reduction <minsi>, %select_n3A_438, %reduce_min3A_439 [1] : vector<256x2048xi32> to vector<256xi32>
    %broadcast_in_dim3A_441 = vector.shape_cast %reduce_min3A_440 : vector<256xi32> to vector<256x1xi32>
    %swap3A_442 = arith.constant 0 : index
    %swap3A_443 = arith.constant 15 : index
    %swap3A_444 = vector.load %arg2[%swap3A_442, %swap3A_443] : memref<256x56xf32, #tpu.memory_space<vmem>>, vector<256x1xf32>
    tpu.vector_store %arg2[%swap3A_442, %swap3A_443], %broadcast_in_dim3A_433 {strides = array<i32>} : memref<256x56xf32, #tpu.memory_space<vmem>>, vector<256x1xf32>,
    %swap3A_445 = arith.constant 0 : index
    %swap3A_446 = arith.constant 15 : index
    %swap3A_447 = vector.load %arg3[%swap3A_445, %swap3A_446] : memref<256x56xi32, #tpu.memory_space<vmem>>, vector<256x1xi32>
    tpu.vector_store %arg3[%swap3A_445, %swap3A_446], %broadcast_in_dim3A_441 {strides = array<i32>} : memref<256x56xi32, #tpu.memory_space<vmem>>, vector<256x1xi32>,
    %eq3A_448 = vector.broadcast %broadcast_in_dim3A_441 : vector<256x1xi32> to vector<256x2048xi32>
    %eq3A_449 = arith.cmpi eq, %iota3A, %eq3A_448 : vector<256x2048xi32>
    %jit3A_450 = arith.constant 0xFF800000 : f32
    %broadcast_in_dim3A_451 = vector.broadcast %jit3A_450 : f32 to vector<256x2048xf32>
    %select_n3A_452 = arith.select %eq3A_449, %broadcast_in_dim3A_451, %get3A_430 : vector<256x2048xi1>, vector<256x2048xf32>
    %swap3A_453 = arith.constant 0 : index
    %swap3A_454 = arith.constant 0 : index
    %swap3A_455 = vector.load %arg4[%swap3A_453, %swap3A_454] : memref<256x2048xf32, #tpu.memory_space<vmem>>, vector<256x2048xf32>
    tpu.vector_store %arg4[%swap3A_453, %swap3A_454], %select_n3A_452 {strides = array<i32>} : memref<256x2048xf32, #tpu.memory_space<vmem>>, vector<256x2048xf32>,
    %get3A_456 = arith.constant 0 : index
    %get3A_457 = arith.constant 0 : index
    %get3A_458 = vector.load %arg4[%get3A_456, %get3A_457] : memref<256x2048xf32, #tpu.memory_space<vmem>>, vector<256x2048xf32>
    %reduce_max3A_459 = arith.constant dense<0xFF800000> : vector<256xf32>
    %reduce_max3A_460 = vector.multi_reduction <maximumf>, %get3A_458, %reduce_max3A_459 [1] : vector<256x2048xf32> to vector<256xf32>
    %broadcast_in_dim3A_461 = vector.shape_cast %reduce_max3A_460 : vector<256xf32> to vector<256x1xf32>
    %eq3A_462 = vector.broadcast %broadcast_in_dim3A_461 : vector<256x1xf32> to vector<256x2048xf32>
    %eq3A_463 = arith.cmpf oeq, %get3A_458, %eq3A_462 : vector<256x2048xf32>
    %jit3A_464 = arith.constant 1073741824 : i32
    %broadcast_in_dim3A_465 = vector.broadcast %jit3A_464 : i32 to vector<256x2048xi32>
    %select_n3A_466 = arith.select %eq3A_463, %iota3A, %broadcast_in_dim3A_465 : vector<256x2048xi1>, vector<256x2048xi32>
    %reduce_min3A_467 = arith.constant dense<2147483647> : vector<256xi32>
    %reduce_min3A_468 = vector.multi_reduction <minsi>, %select_n3A_466, %reduce_min3A_467 [1] : vector<256x2048xi32> to vector<256xi32>
    %broadcast_in_dim3A_469 = vector.shape_cast %reduce_min3A_468 : vector<256xi32> to vector<256x1xi32>
    %swap3A_470 = arith.constant 0 : index
    %swap3A_471 = arith.constant 16 : index
    %swap3A_472 = vector.load %arg2[%swap3A_470, %swap3A_471] : memref<256x56xf32, #tpu.memory_space<vmem>>, vector<256x1xf32>
    tpu.vector_store %arg2[%swap3A_470, %swap3A_471], %broadcast_in_dim3A_461 {strides = array<i32>} : memref<256x56xf32, #tpu.memory_space<vmem>>, vector<256x1xf32>,
    %swap3A_473 = arith.constant 0 : index
    %swap3A_474 = arith.constant 16 : index
    %swap3A_475 = vector.load %arg3[%swap3A_473, %swap3A_474] : memref<256x56xi32, #tpu.memory_space<vmem>>, vector<256x1xi32>
    tpu.vector_store %arg3[%swap3A_473, %swap3A_474], %broadcast_in_dim3A_469 {strides = array<i32>} : memref<256x56xi32, #tpu.memory_space<vmem>>, vector<256x1xi32>,
    %eq3A_476 = vector.broadcast %broadcast_in_dim3A_469 : vector<256x1xi32> to vector<256x2048xi32>
    %eq3A_477 = arith.cmpi eq, %iota3A, %eq3A_476 : vector<256x2048xi32>
    %jit3A_478 = arith.constant 0xFF800000 : f32
    %broadcast_in_dim3A_479 = vector.broadcast %jit3A_478 : f32 to vector<256x2048xf32>
    %select_n3A_480 = arith.select %eq3A_477, %broadcast_in_dim3A_479, %get3A_458 : vector<256x2048xi1>, vector<256x2048xf32>
    %swap3A_481 = arith.constant 0 : index
    %swap3A_482 = arith.constant 0 : index
    %swap3A_483 = vector.load %arg4[%swap3A_481, %swap3A_482] : memref<256x2048xf32, #tpu.memory_space<vmem>>, vector<256x2048xf32>
    tpu.vector_store %arg4[%swap3A_481, %swap3A_482], %select_n3A_480 {strides = array<i32>} : memref<256x2048xf32, #tpu.memory_space<vmem>>, vector<256x2048xf32>,
    %get3A_484 = arith.constant 0 : index
    %get3A_485 = arith.constant 0 : index
    %get3A_486 = vector.load %arg4[%get3A_484, %get3A_485] : memref<256x2048xf32, #tpu.memory_space<vmem>>, vector<256x2048xf32>
    %reduce_max3A_487 = arith.constant dense<0xFF800000> : vector<256xf32>
    %reduce_max3A_488 = vector.multi_reduction <maximumf>, %get3A_486, %reduce_max3A_487 [1] : vector<256x2048xf32> to vector<256xf32>
    %broadcast_in_dim3A_489 = vector.shape_cast %reduce_max3A_488 : vector<256xf32> to vector<256x1xf32>
    %eq3A_490 = vector.broadcast %broadcast_in_dim3A_489 : vector<256x1xf32> to vector<256x2048xf32>
    %eq3A_491 = arith.cmpf oeq, %get3A_486, %eq3A_490 : vector<256x2048xf32>
    %jit3A_492 = arith.constant 1073741824 : i32
    %broadcast_in_dim3A_493 = vector.broadcast %jit3A_492 : i32 to vector<256x2048xi32>
    %select_n3A_494 = arith.select %eq3A_491, %iota3A, %broadcast_in_dim3A_493 : vector<256x2048xi1>, vector<256x2048xi32>
    %reduce_min3A_495 = arith.constant dense<2147483647> : vector<256xi32>
    %reduce_min3A_496 = vector.multi_reduction <minsi>, %select_n3A_494, %reduce_min3A_495 [1] : vector<256x2048xi32> to vector<256xi32>
    %broadcast_in_dim3A_497 = vector.shape_cast %reduce_min3A_496 : vector<256xi32> to vector<256x1xi32>
    %swap3A_498 = arith.constant 0 : index
    %swap3A_499 = arith.constant 17 : index
    %swap3A_500 = vector.load %arg2[%swap3A_498, %swap3A_499] : memref<256x56xf32, #tpu.memory_space<vmem>>, vector<256x1xf32>
    tpu.vector_store %arg2[%swap3A_498, %swap3A_499], %broadcast_in_dim3A_489 {strides = array<i32>} : memref<256x56xf32, #tpu.memory_space<vmem>>, vector<256x1xf32>,
    %swap3A_501 = arith.constant 0 : index
    %swap3A_502 = arith.constant 17 : index
    %swap3A_503 = vector.load %arg3[%swap3A_501, %swap3A_502] : memref<256x56xi32, #tpu.memory_space<vmem>>, vector<256x1xi32>
    tpu.vector_store %arg3[%swap3A_501, %swap3A_502], %broadcast_in_dim3A_497 {strides = array<i32>} : memref<256x56xi32, #tpu.memory_space<vmem>>, vector<256x1xi32>,
    %eq3A_504 = vector.broadcast %broadcast_in_dim3A_497 : vector<256x1xi32> to vector<256x2048xi32>
    %eq3A_505 = arith.cmpi eq, %iota3A, %eq3A_504 : vector<256x2048xi32>
    %jit3A_506 = arith.constant 0xFF800000 : f32
    %broadcast_in_dim3A_507 = vector.broadcast %jit3A_506 : f32 to vector<256x2048xf32>
    %select_n3A_508 = arith.select %eq3A_505, %broadcast_in_dim3A_507, %get3A_486 : vector<256x2048xi1>, vector<256x2048xf32>
    %swap3A_509 = arith.constant 0 : index
    %swap3A_510 = arith.constant 0 : index
    %swap3A_511 = vector.load %arg4[%swap3A_509, %swap3A_510] : memref<256x2048xf32, #tpu.memory_space<vmem>>, vector<256x2048xf32>
    tpu.vector_store %arg4[%swap3A_509, %swap3A_510], %select_n3A_508 {strides = array<i32>} : memref<256x2048xf32, #tpu.memory_space<vmem>>, vector<256x2048xf32>,
    %get3A_512 = arith.constant 0 : index
    %get3A_513 = arith.constant 0 : index
    %get3A_514 = vector.load %arg4[%get3A_512, %get3A_513] : memref<256x2048xf32, #tpu.memory_space<vmem>>, vector<256x2048xf32>
    %reduce_max3A_515 = arith.constant dense<0xFF800000> : vector<256xf32>
    %reduce_max3A_516 = vector.multi_reduction <maximumf>, %get3A_514, %reduce_max3A_515 [1] : vector<256x2048xf32> to vector<256xf32>
    %broadcast_in_dim3A_517 = vector.shape_cast %reduce_max3A_516 : vector<256xf32> to vector<256x1xf32>
    %eq3A_518 = vector.broadcast %broadcast_in_dim3A_517 : vector<256x1xf32> to vector<256x2048xf32>
    %eq3A_519 = arith.cmpf oeq, %get3A_514, %eq3A_518 : vector<256x2048xf32>
    %jit3A_520 = arith.constant 1073741824 : i32
    %broadcast_in_dim3A_521 = vector.broadcast %jit3A_520 : i32 to vector<256x2048xi32>
    %select_n3A_522 = arith.select %eq3A_519, %iota3A, %broadcast_in_dim3A_521 : vector<256x2048xi1>, vector<256x2048xi32>
    %reduce_min3A_523 = arith.constant dense<2147483647> : vector<256xi32>
    %reduce_min3A_524 = vector.multi_reduction <minsi>, %select_n3A_522, %reduce_min3A_523 [1] : vector<256x2048xi32> to vector<256xi32>
    %broadcast_in_dim3A_525 = vector.shape_cast %reduce_min3A_524 : vector<256xi32> to vector<256x1xi32>
    %swap3A_526 = arith.constant 0 : index
    %swap3A_527 = arith.constant 18 : index
    %swap3A_528 = vector.load %arg2[%swap3A_526, %swap3A_527] : memref<256x56xf32, #tpu.memory_space<vmem>>, vector<256x1xf32>
    tpu.vector_store %arg2[%swap3A_526, %swap3A_527], %broadcast_in_dim3A_517 {strides = array<i32>} : memref<256x56xf32, #tpu.memory_space<vmem>>, vector<256x1xf32>,
    %swap3A_529 = arith.constant 0 : index
    %swap3A_530 = arith.constant 18 : index
    %swap3A_531 = vector.load %arg3[%swap3A_529, %swap3A_530] : memref<256x56xi32, #tpu.memory_space<vmem>>, vector<256x1xi32>
    tpu.vector_store %arg3[%swap3A_529, %swap3A_530], %broadcast_in_dim3A_525 {strides = array<i32>} : memref<256x56xi32, #tpu.memory_space<vmem>>, vector<256x1xi32>,
    %eq3A_532 = vector.broadcast %broadcast_in_dim3A_525 : vector<256x1xi32> to vector<256x2048xi32>
    %eq3A_533 = arith.cmpi eq, %iota3A, %eq3A_532 : vector<256x2048xi32>
    %jit3A_534 = arith.constant 0xFF800000 : f32
    %broadcast_in_dim3A_535 = vector.broadcast %jit3A_534 : f32 to vector<256x2048xf32>
    %select_n3A_536 = arith.select %eq3A_533, %broadcast_in_dim3A_535, %get3A_514 : vector<256x2048xi1>, vector<256x2048xf32>
    %swap3A_537 = arith.constant 0 : index
    %swap3A_538 = arith.constant 0 : index
    %swap3A_539 = vector.load %arg4[%swap3A_537, %swap3A_538] : memref<256x2048xf32, #tpu.memory_space<vmem>>, vector<256x2048xf32>
    tpu.vector_store %arg4[%swap3A_537, %swap3A_538], %select_n3A_536 {strides = array<i32>} : memref<256x2048xf32, #tpu.memory_space<vmem>>, vector<256x2048xf32>,
    %get3A_540 = arith.constant 0 : index
    %get3A_541 = arith.constant 0 : index
    %get3A_542 = vector.load %arg4[%get3A_540, %get3A_541] : memref<256x2048xf32, #tpu.memory_space<vmem>>, vector<256x2048xf32>
    %reduce_max3A_543 = arith.constant dense<0xFF800000> : vector<256xf32>
    %reduce_max3A_544 = vector.multi_reduction <maximumf>, %get3A_542, %reduce_max3A_543 [1] : vector<256x2048xf32> to vector<256xf32>
    %broadcast_in_dim3A_545 = vector.shape_cast %reduce_max3A_544 : vector<256xf32> to vector<256x1xf32>
    %eq3A_546 = vector.broadcast %broadcast_in_dim3A_545 : vector<256x1xf32> to vector<256x2048xf32>
    %eq3A_547 = arith.cmpf oeq, %get3A_542, %eq3A_546 : vector<256x2048xf32>
    %jit3A_548 = arith.constant 1073741824 : i32
    %broadcast_in_dim3A_549 = vector.broadcast %jit3A_548 : i32 to vector<256x2048xi32>
    %select_n3A_550 = arith.select %eq3A_547, %iota3A, %broadcast_in_dim3A_549 : vector<256x2048xi1>, vector<256x2048xi32>
    %reduce_min3A_551 = arith.constant dense<2147483647> : vector<256xi32>
    %reduce_min3A_552 = vector.multi_reduction <minsi>, %select_n3A_550, %reduce_min3A_551 [1] : vector<256x2048xi32> to vector<256xi32>
    %broadcast_in_dim3A_553 = vector.shape_cast %reduce_min3A_552 : vector<256xi32> to vector<256x1xi32>
    %swap3A_554 = arith.constant 0 : index
    %swap3A_555 = arith.constant 19 : index
    %swap3A_556 = vector.load %arg2[%swap3A_554, %swap3A_555] : memref<256x56xf32, #tpu.memory_space<vmem>>, vector<256x1xf32>
    tpu.vector_store %arg2[%swap3A_554, %swap3A_555], %broadcast_in_dim3A_545 {strides = array<i32>} : memref<256x56xf32, #tpu.memory_space<vmem>>, vector<256x1xf32>,
    %swap3A_557 = arith.constant 0 : index
    %swap3A_558 = arith.constant 19 : index
    %swap3A_559 = vector.load %arg3[%swap3A_557, %swap3A_558] : memref<256x56xi32, #tpu.memory_space<vmem>>, vector<256x1xi32>
    tpu.vector_store %arg3[%swap3A_557, %swap3A_558], %broadcast_in_dim3A_553 {strides = array<i32>} : memref<256x56xi32, #tpu.memory_space<vmem>>, vector<256x1xi32>,
    %eq3A_560 = vector.broadcast %broadcast_in_dim3A_553 : vector<256x1xi32> to vector<256x2048xi32>
    %eq3A_561 = arith.cmpi eq, %iota3A, %eq3A_560 : vector<256x2048xi32>
    %jit3A_562 = arith.constant 0xFF800000 : f32
    %broadcast_in_dim3A_563 = vector.broadcast %jit3A_562 : f32 to vector<256x2048xf32>
    %select_n3A_564 = arith.select %eq3A_561, %broadcast_in_dim3A_563, %get3A_542 : vector<256x2048xi1>, vector<256x2048xf32>
    %swap3A_565 = arith.constant 0 : index
    %swap3A_566 = arith.constant 0 : index
    %swap3A_567 = vector.load %arg4[%swap3A_565, %swap3A_566] : memref<256x2048xf32, #tpu.memory_space<vmem>>, vector<256x2048xf32>
    tpu.vector_store %arg4[%swap3A_565, %swap3A_566], %select_n3A_564 {strides = array<i32>} : memref<256x2048xf32, #tpu.memory_space<vmem>>, vector<256x2048xf32>,
    %get3A_568 = arith.constant 0 : index
    %get3A_569 = arith.constant 0 : index
    %get3A_570 = vector.load %arg4[%get3A_568, %get3A_569] : memref<256x2048xf32, #tpu.memory_space<vmem>>, vector<256x2048xf32>
    %reduce_max3A_571 = arith.constant dense<0xFF800000> : vector<256xf32>
    %reduce_max3A_572 = vector.multi_reduction <maximumf>, %get3A_570, %reduce_max3A_571 [1] : vector<256x2048xf32> to vector<256xf32>
    %broadcast_in_dim3A_573 = vector.shape_cast %reduce_max3A_572 : vector<256xf32> to vector<256x1xf32>
    %eq3A_574 = vector.broadcast %broadcast_in_dim3A_573 : vector<256x1xf32> to vector<256x2048xf32>
    %eq3A_575 = arith.cmpf oeq, %get3A_570, %eq3A_574 : vector<256x2048xf32>
    %jit3A_576 = arith.constant 1073741824 : i32
    %broadcast_in_dim3A_577 = vector.broadcast %jit3A_576 : i32 to vector<256x2048xi32>
    %select_n3A_578 = arith.select %eq3A_575, %iota3A, %broadcast_in_dim3A_577 : vector<256x2048xi1>, vector<256x2048xi32>
    %reduce_min3A_579 = arith.constant dense<2147483647> : vector<256xi32>
    %reduce_min3A_580 = vector.multi_reduction <minsi>, %select_n3A_578, %reduce_min3A_579 [1] : vector<256x2048xi32> to vector<256xi32>
    %broadcast_in_dim3A_581 = vector.shape_cast %reduce_min3A_580 : vector<256xi32> to vector<256x1xi32>
    %swap3A_582 = arith.constant 0 : index
    %swap3A_583 = arith.constant 20 : index
    %swap3A_584 = vector.load %arg2[%swap3A_582, %swap3A_583] : memref<256x56xf32, #tpu.memory_space<vmem>>, vector<256x1xf32>
    tpu.vector_store %arg2[%swap3A_582, %swap3A_583], %broadcast_in_dim3A_573 {strides = array<i32>} : memref<256x56xf32, #tpu.memory_space<vmem>>, vector<256x1xf32>,
    %swap3A_585 = arith.constant 0 : index
    %swap3A_586 = arith.constant 20 : index
    %swap3A_587 = vector.load %arg3[%swap3A_585, %swap3A_586] : memref<256x56xi32, #tpu.memory_space<vmem>>, vector<256x1xi32>
    tpu.vector_store %arg3[%swap3A_585, %swap3A_586], %broadcast_in_dim3A_581 {strides = array<i32>} : memref<256x56xi32, #tpu.memory_space<vmem>>, vector<256x1xi32>,
    %eq3A_588 = vector.broadcast %broadcast_in_dim3A_581 : vector<256x1xi32> to vector<256x2048xi32>
    %eq3A_589 = arith.cmpi eq, %iota3A, %eq3A_588 : vector<256x2048xi32>
    %jit3A_590 = arith.constant 0xFF800000 : f32
    %broadcast_in_dim3A_591 = vector.broadcast %jit3A_590 : f32 to vector<256x2048xf32>
    %select_n3A_592 = arith.select %eq3A_589, %broadcast_in_dim3A_591, %get3A_570 : vector<256x2048xi1>, vector<256x2048xf32>
    %swap3A_593 = arith.constant 0 : index
    %swap3A_594 = arith.constant 0 : index
    %swap3A_595 = vector.load %arg4[%swap3A_593, %swap3A_594] : memref<256x2048xf32, #tpu.memory_space<vmem>>, vector<256x2048xf32>
    tpu.vector_store %arg4[%swap3A_593, %swap3A_594], %select_n3A_592 {strides = array<i32>} : memref<256x2048xf32, #tpu.memory_space<vmem>>, vector<256x2048xf32>,
    %get3A_596 = arith.constant 0 : index
    %get3A_597 = arith.constant 0 : index
    %get3A_598 = vector.load %arg4[%get3A_596, %get3A_597] : memref<256x2048xf32, #tpu.memory_space<vmem>>, vector<256x2048xf32>
    %reduce_max3A_599 = arith.constant dense<0xFF800000> : vector<256xf32>
    %reduce_max3A_600 = vector.multi_reduction <maximumf>, %get3A_598, %reduce_max3A_599 [1] : vector<256x2048xf32> to vector<256xf32>
    %broadcast_in_dim3A_601 = vector.shape_cast %reduce_max3A_600 : vector<256xf32> to vector<256x1xf32>
    %eq3A_602 = vector.broadcast %broadcast_in_dim3A_601 : vector<256x1xf32> to vector<256x2048xf32>
    %eq3A_603 = arith.cmpf oeq, %get3A_598, %eq3A_602 : vector<256x2048xf32>
    %jit3A_604 = arith.constant 1073741824 : i32
    %broadcast_in_dim3A_605 = vector.broadcast %jit3A_604 : i32 to vector<256x2048xi32>
    %select_n3A_606 = arith.select %eq3A_603, %iota3A, %broadcast_in_dim3A_605 : vector<256x2048xi1>, vector<256x2048xi32>
    %reduce_min3A_607 = arith.constant dense<2147483647> : vector<256xi32>
    %reduce_min3A_608 = vector.multi_reduction <minsi>, %select_n3A_606, %reduce_min3A_607 [1] : vector<256x2048xi32> to vector<256xi32>
    %broadcast_in_dim3A_609 = vector.shape_cast %reduce_min3A_608 : vector<256xi32> to vector<256x1xi32>
    %swap3A_610 = arith.constant 0 : index
    %swap3A_611 = arith.constant 21 : index
    %swap3A_612 = vector.load %arg2[%swap3A_610, %swap3A_611] : memref<256x56xf32, #tpu.memory_space<vmem>>, vector<256x1xf32>
    tpu.vector_store %arg2[%swap3A_610, %swap3A_611], %broadcast_in_dim3A_601 {strides = array<i32>} : memref<256x56xf32, #tpu.memory_space<vmem>>, vector<256x1xf32>,
    %swap3A_613 = arith.constant 0 : index
    %swap3A_614 = arith.constant 21 : index
    %swap3A_615 = vector.load %arg3[%swap3A_613, %swap3A_614] : memref<256x56xi32, #tpu.memory_space<vmem>>, vector<256x1xi32>
    tpu.vector_store %arg3[%swap3A_613, %swap3A_614], %broadcast_in_dim3A_609 {strides = array<i32>} : memref<256x56xi32, #tpu.memory_space<vmem>>, vector<256x1xi32>,
    %eq3A_616 = vector.broadcast %broadcast_in_dim3A_609 : vector<256x1xi32> to vector<256x2048xi32>
    %eq3A_617 = arith.cmpi eq, %iota3A, %eq3A_616 : vector<256x2048xi32>
    %jit3A_618 = arith.constant 0xFF800000 : f32
    %broadcast_in_dim3A_619 = vector.broadcast %jit3A_618 : f32 to vector<256x2048xf32>
    %select_n3A_620 = arith.select %eq3A_617, %broadcast_in_dim3A_619, %get3A_598 : vector<256x2048xi1>, vector<256x2048xf32>
    %swap3A_621 = arith.constant 0 : index
    %swap3A_622 = arith.constant 0 : index
    %swap3A_623 = vector.load %arg4[%swap3A_621, %swap3A_622] : memref<256x2048xf32, #tpu.memory_space<vmem>>, vector<256x2048xf32>
    tpu.vector_store %arg4[%swap3A_621, %swap3A_622], %select_n3A_620 {strides = array<i32>} : memref<256x2048xf32, #tpu.memory_space<vmem>>, vector<256x2048xf32>,
    %get3A_624 = arith.constant 0 : index
    %get3A_625 = arith.constant 0 : index
    %get3A_626 = vector.load %arg4[%get3A_624, %get3A_625] : memref<256x2048xf32, #tpu.memory_space<vmem>>, vector<256x2048xf32>
    %reduce_max3A_627 = arith.constant dense<0xFF800000> : vector<256xf32>
    %reduce_max3A_628 = vector.multi_reduction <maximumf>, %get3A_626, %reduce_max3A_627 [1] : vector<256x2048xf32> to vector<256xf32>
    %broadcast_in_dim3A_629 = vector.shape_cast %reduce_max3A_628 : vector<256xf32> to vector<256x1xf32>
    %eq3A_630 = vector.broadcast %broadcast_in_dim3A_629 : vector<256x1xf32> to vector<256x2048xf32>
    %eq3A_631 = arith.cmpf oeq, %get3A_626, %eq3A_630 : vector<256x2048xf32>
    %jit3A_632 = arith.constant 1073741824 : i32
    %broadcast_in_dim3A_633 = vector.broadcast %jit3A_632 : i32 to vector<256x2048xi32>
    %select_n3A_634 = arith.select %eq3A_631, %iota3A, %broadcast_in_dim3A_633 : vector<256x2048xi1>, vector<256x2048xi32>
    %reduce_min3A_635 = arith.constant dense<2147483647> : vector<256xi32>
    %reduce_min3A_636 = vector.multi_reduction <minsi>, %select_n3A_634, %reduce_min3A_635 [1] : vector<256x2048xi32> to vector<256xi32>
    %broadcast_in_dim3A_637 = vector.shape_cast %reduce_min3A_636 : vector<256xi32> to vector<256x1xi32>
    %swap3A_638 = arith.constant 0 : index
    %swap3A_639 = arith.constant 22 : index
    %swap3A_640 = vector.load %arg2[%swap3A_638, %swap3A_639] : memref<256x56xf32, #tpu.memory_space<vmem>>, vector<256x1xf32>
    tpu.vector_store %arg2[%swap3A_638, %swap3A_639], %broadcast_in_dim3A_629 {strides = array<i32>} : memref<256x56xf32, #tpu.memory_space<vmem>>, vector<256x1xf32>,
    %swap3A_641 = arith.constant 0 : index
    %swap3A_642 = arith.constant 22 : index
    %swap3A_643 = vector.load %arg3[%swap3A_641, %swap3A_642] : memref<256x56xi32, #tpu.memory_space<vmem>>, vector<256x1xi32>
    tpu.vector_store %arg3[%swap3A_641, %swap3A_642], %broadcast_in_dim3A_637 {strides = array<i32>} : memref<256x56xi32, #tpu.memory_space<vmem>>, vector<256x1xi32>,
    %eq3A_644 = vector.broadcast %broadcast_in_dim3A_637 : vector<256x1xi32> to vector<256x2048xi32>
    %eq3A_645 = arith.cmpi eq, %iota3A, %eq3A_644 : vector<256x2048xi32>
    %jit3A_646 = arith.constant 0xFF800000 : f32
    %broadcast_in_dim3A_647 = vector.broadcast %jit3A_646 : f32 to vector<256x2048xf32>
    %select_n3A_648 = arith.select %eq3A_645, %broadcast_in_dim3A_647, %get3A_626 : vector<256x2048xi1>, vector<256x2048xf32>
    %swap3A_649 = arith.constant 0 : index
    %swap3A_650 = arith.constant 0 : index
    %swap3A_651 = vector.load %arg4[%swap3A_649, %swap3A_650] : memref<256x2048xf32, #tpu.memory_space<vmem>>, vector<256x2048xf32>
    tpu.vector_store %arg4[%swap3A_649, %swap3A_650], %select_n3A_648 {strides = array<i32>} : memref<256x2048xf32, #tpu.memory_space<vmem>>, vector<256x2048xf32>,
    %get3A_652 = arith.constant 0 : index
    %get3A_653 = arith.constant 0 : index
    %get3A_654 = vector.load %arg4[%get3A_652, %get3A_653] : memref<256x2048xf32, #tpu.memory_space<vmem>>, vector<256x2048xf32>
    %reduce_max3A_655 = arith.constant dense<0xFF800000> : vector<256xf32>
    %reduce_max3A_656 = vector.multi_reduction <maximumf>, %get3A_654, %reduce_max3A_655 [1] : vector<256x2048xf32> to vector<256xf32>
    %broadcast_in_dim3A_657 = vector.shape_cast %reduce_max3A_656 : vector<256xf32> to vector<256x1xf32>
    %eq3A_658 = vector.broadcast %broadcast_in_dim3A_657 : vector<256x1xf32> to vector<256x2048xf32>
    %eq3A_659 = arith.cmpf oeq, %get3A_654, %eq3A_658 : vector<256x2048xf32>
    %jit3A_660 = arith.constant 1073741824 : i32
    %broadcast_in_dim3A_661 = vector.broadcast %jit3A_660 : i32 to vector<256x2048xi32>
    %select_n3A_662 = arith.select %eq3A_659, %iota3A, %broadcast_in_dim3A_661 : vector<256x2048xi1>, vector<256x2048xi32>
    %reduce_min3A_663 = arith.constant dense<2147483647> : vector<256xi32>
    %reduce_min3A_664 = vector.multi_reduction <minsi>, %select_n3A_662, %reduce_min3A_663 [1] : vector<256x2048xi32> to vector<256xi32>
    %broadcast_in_dim3A_665 = vector.shape_cast %reduce_min3A_664 : vector<256xi32> to vector<256x1xi32>
    %swap3A_666 = arith.constant 0 : index
    %swap3A_667 = arith.constant 23 : index
    %swap3A_668 = vector.load %arg2[%swap3A_666, %swap3A_667] : memref<256x56xf32, #tpu.memory_space<vmem>>, vector<256x1xf32>
    tpu.vector_store %arg2[%swap3A_666, %swap3A_667], %broadcast_in_dim3A_657 {strides = array<i32>} : memref<256x56xf32, #tpu.memory_space<vmem>>, vector<256x1xf32>,
    %swap3A_669 = arith.constant 0 : index
    %swap3A_670 = arith.constant 23 : index
    %swap3A_671 = vector.load %arg3[%swap3A_669, %swap3A_670] : memref<256x56xi32, #tpu.memory_space<vmem>>, vector<256x1xi32>
    tpu.vector_store %arg3[%swap3A_669, %swap3A_670], %broadcast_in_dim3A_665 {strides = array<i32>} : memref<256x56xi32, #tpu.memory_space<vmem>>, vector<256x1xi32>,
    %eq3A_672 = vector.broadcast %broadcast_in_dim3A_665 : vector<256x1xi32> to vector<256x2048xi32>
    %eq3A_673 = arith.cmpi eq, %iota3A, %eq3A_672 : vector<256x2048xi32>
    %jit3A_674 = arith.constant 0xFF800000 : f32
    %broadcast_in_dim3A_675 = vector.broadcast %jit3A_674 : f32 to vector<256x2048xf32>
    %select_n3A_676 = arith.select %eq3A_673, %broadcast_in_dim3A_675, %get3A_654 : vector<256x2048xi1>, vector<256x2048xf32>
    %swap3A_677 = arith.constant 0 : index
    %swap3A_678 = arith.constant 0 : index
    %swap3A_679 = vector.load %arg4[%swap3A_677, %swap3A_678] : memref<256x2048xf32, #tpu.memory_space<vmem>>, vector<256x2048xf32>
    tpu.vector_store %arg4[%swap3A_677, %swap3A_678], %select_n3A_676 {strides = array<i32>} : memref<256x2048xf32, #tpu.memory_space<vmem>>, vector<256x2048xf32>,
    %get3A_680 = arith.constant 0 : index
    %get3A_681 = arith.constant 0 : index
    %get3A_682 = vector.load %arg4[%get3A_680, %get3A_681] : memref<256x2048xf32, #tpu.memory_space<vmem>>, vector<256x2048xf32>
    %reduce_max3A_683 = arith.constant dense<0xFF800000> : vector<256xf32>
    %reduce_max3A_684 = vector.multi_reduction <maximumf>, %get3A_682, %reduce_max3A_683 [1] : vector<256x2048xf32> to vector<256xf32>
    %broadcast_in_dim3A_685 = vector.shape_cast %reduce_max3A_684 : vector<256xf32> to vector<256x1xf32>
    %eq3A_686 = vector.broadcast %broadcast_in_dim3A_685 : vector<256x1xf32> to vector<256x2048xf32>
    %eq3A_687 = arith.cmpf oeq, %get3A_682, %eq3A_686 : vector<256x2048xf32>
    %jit3A_688 = arith.constant 1073741824 : i32
    %broadcast_in_dim3A_689 = vector.broadcast %jit3A_688 : i32 to vector<256x2048xi32>
    %select_n3A_690 = arith.select %eq3A_687, %iota3A, %broadcast_in_dim3A_689 : vector<256x2048xi1>, vector<256x2048xi32>
    %reduce_min3A_691 = arith.constant dense<2147483647> : vector<256xi32>
    %reduce_min3A_692 = vector.multi_reduction <minsi>, %select_n3A_690, %reduce_min3A_691 [1] : vector<256x2048xi32> to vector<256xi32>
    %broadcast_in_dim3A_693 = vector.shape_cast %reduce_min3A_692 : vector<256xi32> to vector<256x1xi32>
    %swap3A_694 = arith.constant 0 : index
    %swap3A_695 = arith.constant 24 : index
    %swap3A_696 = vector.load %arg2[%swap3A_694, %swap3A_695] : memref<256x56xf32, #tpu.memory_space<vmem>>, vector<256x1xf32>
    tpu.vector_store %arg2[%swap3A_694, %swap3A_695], %broadcast_in_dim3A_685 {strides = array<i32>} : memref<256x56xf32, #tpu.memory_space<vmem>>, vector<256x1xf32>,
    %swap3A_697 = arith.constant 0 : index
    %swap3A_698 = arith.constant 24 : index
    %swap3A_699 = vector.load %arg3[%swap3A_697, %swap3A_698] : memref<256x56xi32, #tpu.memory_space<vmem>>, vector<256x1xi32>
    tpu.vector_store %arg3[%swap3A_697, %swap3A_698], %broadcast_in_dim3A_693 {strides = array<i32>} : memref<256x56xi32, #tpu.memory_space<vmem>>, vector<256x1xi32>,
    %eq3A_700 = vector.broadcast %broadcast_in_dim3A_693 : vector<256x1xi32> to vector<256x2048xi32>
    %eq3A_701 = arith.cmpi eq, %iota3A, %eq3A_700 : vector<256x2048xi32>
    %jit3A_702 = arith.constant 0xFF800000 : f32
    %broadcast_in_dim3A_703 = vector.broadcast %jit3A_702 : f32 to vector<256x2048xf32>
    %select_n3A_704 = arith.select %eq3A_701, %broadcast_in_dim3A_703, %get3A_682 : vector<256x2048xi1>, vector<256x2048xf32>
    %swap3A_705 = arith.constant 0 : index
    %swap3A_706 = arith.constant 0 : index
    %swap3A_707 = vector.load %arg4[%swap3A_705, %swap3A_706] : memref<256x2048xf32, #tpu.memory_space<vmem>>, vector<256x2048xf32>
    tpu.vector_store %arg4[%swap3A_705, %swap3A_706], %select_n3A_704 {strides = array<i32>} : memref<256x2048xf32, #tpu.memory_space<vmem>>, vector<256x2048xf32>,
    %get3A_708 = arith.constant 0 : index
    %get3A_709 = arith.constant 0 : index
    %get3A_710 = vector.load %arg4[%get3A_708, %get3A_709] : memref<256x2048xf32, #tpu.memory_space<vmem>>, vector<256x2048xf32>
    %reduce_max3A_711 = arith.constant dense<0xFF800000> : vector<256xf32>
    %reduce_max3A_712 = vector.multi_reduction <maximumf>, %get3A_710, %reduce_max3A_711 [1] : vector<256x2048xf32> to vector<256xf32>
    %broadcast_in_dim3A_713 = vector.shape_cast %reduce_max3A_712 : vector<256xf32> to vector<256x1xf32>
    %eq3A_714 = vector.broadcast %broadcast_in_dim3A_713 : vector<256x1xf32> to vector<256x2048xf32>
    %eq3A_715 = arith.cmpf oeq, %get3A_710, %eq3A_714 : vector<256x2048xf32>
    %jit3A_716 = arith.constant 1073741824 : i32
    %broadcast_in_dim3A_717 = vector.broadcast %jit3A_716 : i32 to vector<256x2048xi32>
    %select_n3A_718 = arith.select %eq3A_715, %iota3A, %broadcast_in_dim3A_717 : vector<256x2048xi1>, vector<256x2048xi32>
    %reduce_min3A_719 = arith.constant dense<2147483647> : vector<256xi32>
    %reduce_min3A_720 = vector.multi_reduction <minsi>, %select_n3A_718, %reduce_min3A_719 [1] : vector<256x2048xi32> to vector<256xi32>
    %broadcast_in_dim3A_721 = vector.shape_cast %reduce_min3A_720 : vector<256xi32> to vector<256x1xi32>
    %swap3A_722 = arith.constant 0 : index
    %swap3A_723 = arith.constant 25 : index
    %swap3A_724 = vector.load %arg2[%swap3A_722, %swap3A_723] : memref<256x56xf32, #tpu.memory_space<vmem>>, vector<256x1xf32>
    tpu.vector_store %arg2[%swap3A_722, %swap3A_723], %broadcast_in_dim3A_713 {strides = array<i32>} : memref<256x56xf32, #tpu.memory_space<vmem>>, vector<256x1xf32>,
    %swap3A_725 = arith.constant 0 : index
    %swap3A_726 = arith.constant 25 : index
    %swap3A_727 = vector.load %arg3[%swap3A_725, %swap3A_726] : memref<256x56xi32, #tpu.memory_space<vmem>>, vector<256x1xi32>
    tpu.vector_store %arg3[%swap3A_725, %swap3A_726], %broadcast_in_dim3A_721 {strides = array<i32>} : memref<256x56xi32, #tpu.memory_space<vmem>>, vector<256x1xi32>,
    %eq3A_728 = vector.broadcast %broadcast_in_dim3A_721 : vector<256x1xi32> to vector<256x2048xi32>
    %eq3A_729 = arith.cmpi eq, %iota3A, %eq3A_728 : vector<256x2048xi32>
    %jit3A_730 = arith.constant 0xFF800000 : f32
    %broadcast_in_dim3A_731 = vector.broadcast %jit3A_730 : f32 to vector<256x2048xf32>
    %select_n3A_732 = arith.select %eq3A_729, %broadcast_in_dim3A_731, %get3A_710 : vector<256x2048xi1>, vector<256x2048xf32>
    %swap3A_733 = arith.constant 0 : index
    %swap3A_734 = arith.constant 0 : index
    %swap3A_735 = vector.load %arg4[%swap3A_733, %swap3A_734] : memref<256x2048xf32, #tpu.memory_space<vmem>>, vector<256x2048xf32>
    tpu.vector_store %arg4[%swap3A_733, %swap3A_734], %select_n3A_732 {strides = array<i32>} : memref<256x2048xf32, #tpu.memory_space<vmem>>, vector<256x2048xf32>,
    %get3A_736 = arith.constant 0 : index
    %get3A_737 = arith.constant 0 : index
    %get3A_738 = vector.load %arg4[%get3A_736, %get3A_737] : memref<256x2048xf32, #tpu.memory_space<vmem>>, vector<256x2048xf32>
    %reduce_max3A_739 = arith.constant dense<0xFF800000> : vector<256xf32>
    %reduce_max3A_740 = vector.multi_reduction <maximumf>, %get3A_738, %reduce_max3A_739 [1] : vector<256x2048xf32> to vector<256xf32>
    %broadcast_in_dim3A_741 = vector.shape_cast %reduce_max3A_740 : vector<256xf32> to vector<256x1xf32>
    %eq3A_742 = vector.broadcast %broadcast_in_dim3A_741 : vector<256x1xf32> to vector<256x2048xf32>
    %eq3A_743 = arith.cmpf oeq, %get3A_738, %eq3A_742 : vector<256x2048xf32>
    %jit3A_744 = arith.constant 1073741824 : i32
    %broadcast_in_dim3A_745 = vector.broadcast %jit3A_744 : i32 to vector<256x2048xi32>
    %select_n3A_746 = arith.select %eq3A_743, %iota3A, %broadcast_in_dim3A_745 : vector<256x2048xi1>, vector<256x2048xi32>
    %reduce_min3A_747 = arith.constant dense<2147483647> : vector<256xi32>
    %reduce_min3A_748 = vector.multi_reduction <minsi>, %select_n3A_746, %reduce_min3A_747 [1] : vector<256x2048xi32> to vector<256xi32>
    %broadcast_in_dim3A_749 = vector.shape_cast %reduce_min3A_748 : vector<256xi32> to vector<256x1xi32>
    %swap3A_750 = arith.constant 0 : index
    %swap3A_751 = arith.constant 26 : index
    %swap3A_752 = vector.load %arg2[%swap3A_750, %swap3A_751] : memref<256x56xf32, #tpu.memory_space<vmem>>, vector<256x1xf32>
    tpu.vector_store %arg2[%swap3A_750, %swap3A_751], %broadcast_in_dim3A_741 {strides = array<i32>} : memref<256x56xf32, #tpu.memory_space<vmem>>, vector<256x1xf32>,
    %swap3A_753 = arith.constant 0 : index
    %swap3A_754 = arith.constant 26 : index
    %swap3A_755 = vector.load %arg3[%swap3A_753, %swap3A_754] : memref<256x56xi32, #tpu.memory_space<vmem>>, vector<256x1xi32>
    tpu.vector_store %arg3[%swap3A_753, %swap3A_754], %broadcast_in_dim3A_749 {strides = array<i32>} : memref<256x56xi32, #tpu.memory_space<vmem>>, vector<256x1xi32>,
    %eq3A_756 = vector.broadcast %broadcast_in_dim3A_749 : vector<256x1xi32> to vector<256x2048xi32>
    %eq3A_757 = arith.cmpi eq, %iota3A, %eq3A_756 : vector<256x2048xi32>
    %jit3A_758 = arith.constant 0xFF800000 : f32
    %broadcast_in_dim3A_759 = vector.broadcast %jit3A_758 : f32 to vector<256x2048xf32>
    %select_n3A_760 = arith.select %eq3A_757, %broadcast_in_dim3A_759, %get3A_738 : vector<256x2048xi1>, vector<256x2048xf32>
    %swap3A_761 = arith.constant 0 : index
    %swap3A_762 = arith.constant 0 : index
    %swap3A_763 = vector.load %arg4[%swap3A_761, %swap3A_762] : memref<256x2048xf32, #tpu.memory_space<vmem>>, vector<256x2048xf32>
    tpu.vector_store %arg4[%swap3A_761, %swap3A_762], %select_n3A_760 {strides = array<i32>} : memref<256x2048xf32, #tpu.memory_space<vmem>>, vector<256x2048xf32>,
    %get3A_764 = arith.constant 0 : index
    %get3A_765 = arith.constant 0 : index
    %get3A_766 = vector.load %arg4[%get3A_764, %get3A_765] : memref<256x2048xf32, #tpu.memory_space<vmem>>, vector<256x2048xf32>
    %reduce_max3A_767 = arith.constant dense<0xFF800000> : vector<256xf32>
    %reduce_max3A_768 = vector.multi_reduction <maximumf>, %get3A_766, %reduce_max3A_767 [1] : vector<256x2048xf32> to vector<256xf32>
    %broadcast_in_dim3A_769 = vector.shape_cast %reduce_max3A_768 : vector<256xf32> to vector<256x1xf32>
    %eq3A_770 = vector.broadcast %broadcast_in_dim3A_769 : vector<256x1xf32> to vector<256x2048xf32>
    %eq3A_771 = arith.cmpf oeq, %get3A_766, %eq3A_770 : vector<256x2048xf32>
    %jit3A_772 = arith.constant 1073741824 : i32
    %broadcast_in_dim3A_773 = vector.broadcast %jit3A_772 : i32 to vector<256x2048xi32>
    %select_n3A_774 = arith.select %eq3A_771, %iota3A, %broadcast_in_dim3A_773 : vector<256x2048xi1>, vector<256x2048xi32>
    %reduce_min3A_775 = arith.constant dense<2147483647> : vector<256xi32>
    %reduce_min3A_776 = vector.multi_reduction <minsi>, %select_n3A_774, %reduce_min3A_775 [1] : vector<256x2048xi32> to vector<256xi32>
    %broadcast_in_dim3A_777 = vector.shape_cast %reduce_min3A_776 : vector<256xi32> to vector<256x1xi32>
    %swap3A_778 = arith.constant 0 : index
    %swap3A_779 = arith.constant 27 : index
    %swap3A_780 = vector.load %arg2[%swap3A_778, %swap3A_779] : memref<256x56xf32, #tpu.memory_space<vmem>>, vector<256x1xf32>
    tpu.vector_store %arg2[%swap3A_778, %swap3A_779], %broadcast_in_dim3A_769 {strides = array<i32>} : memref<256x56xf32, #tpu.memory_space<vmem>>, vector<256x1xf32>,
    %swap3A_781 = arith.constant 0 : index
    %swap3A_782 = arith.constant 27 : index
    %swap3A_783 = vector.load %arg3[%swap3A_781, %swap3A_782] : memref<256x56xi32, #tpu.memory_space<vmem>>, vector<256x1xi32>
    tpu.vector_store %arg3[%swap3A_781, %swap3A_782], %broadcast_in_dim3A_777 {strides = array<i32>} : memref<256x56xi32, #tpu.memory_space<vmem>>, vector<256x1xi32>,
    %eq3A_784 = vector.broadcast %broadcast_in_dim3A_777 : vector<256x1xi32> to vector<256x2048xi32>
    %eq3A_785 = arith.cmpi eq, %iota3A, %eq3A_784 : vector<256x2048xi32>
    %jit3A_786 = arith.constant 0xFF800000 : f32
    %broadcast_in_dim3A_787 = vector.broadcast %jit3A_786 : f32 to vector<256x2048xf32>
    %select_n3A_788 = arith.select %eq3A_785, %broadcast_in_dim3A_787, %get3A_766 : vector<256x2048xi1>, vector<256x2048xf32>
    %swap3A_789 = arith.constant 0 : index
    %swap3A_790 = arith.constant 0 : index
    %swap3A_791 = vector.load %arg4[%swap3A_789, %swap3A_790] : memref<256x2048xf32, #tpu.memory_space<vmem>>, vector<256x2048xf32>
    tpu.vector_store %arg4[%swap3A_789, %swap3A_790], %select_n3A_788 {strides = array<i32>} : memref<256x2048xf32, #tpu.memory_space<vmem>>, vector<256x2048xf32>,
    %get3A_792 = arith.constant 0 : index
    %get3A_793 = arith.constant 0 : index
    %get3A_794 = vector.load %arg4[%get3A_792, %get3A_793] : memref<256x2048xf32, #tpu.memory_space<vmem>>, vector<256x2048xf32>
    %reduce_max3A_795 = arith.constant dense<0xFF800000> : vector<256xf32>
    %reduce_max3A_796 = vector.multi_reduction <maximumf>, %get3A_794, %reduce_max3A_795 [1] : vector<256x2048xf32> to vector<256xf32>
    %broadcast_in_dim3A_797 = vector.shape_cast %reduce_max3A_796 : vector<256xf32> to vector<256x1xf32>
    %eq3A_798 = vector.broadcast %broadcast_in_dim3A_797 : vector<256x1xf32> to vector<256x2048xf32>
    %eq3A_799 = arith.cmpf oeq, %get3A_794, %eq3A_798 : vector<256x2048xf32>
    %jit3A_800 = arith.constant 1073741824 : i32
    %broadcast_in_dim3A_801 = vector.broadcast %jit3A_800 : i32 to vector<256x2048xi32>
    %select_n3A_802 = arith.select %eq3A_799, %iota3A, %broadcast_in_dim3A_801 : vector<256x2048xi1>, vector<256x2048xi32>
    %reduce_min3A_803 = arith.constant dense<2147483647> : vector<256xi32>
    %reduce_min3A_804 = vector.multi_reduction <minsi>, %select_n3A_802, %reduce_min3A_803 [1] : vector<256x2048xi32> to vector<256xi32>
    %broadcast_in_dim3A_805 = vector.shape_cast %reduce_min3A_804 : vector<256xi32> to vector<256x1xi32>
    %swap3A_806 = arith.constant 0 : index
    %swap3A_807 = arith.constant 28 : index
    %swap3A_808 = vector.load %arg2[%swap3A_806, %swap3A_807] : memref<256x56xf32, #tpu.memory_space<vmem>>, vector<256x1xf32>
    tpu.vector_store %arg2[%swap3A_806, %swap3A_807], %broadcast_in_dim3A_797 {strides = array<i32>} : memref<256x56xf32, #tpu.memory_space<vmem>>, vector<256x1xf32>,
    %swap3A_809 = arith.constant 0 : index
    %swap3A_810 = arith.constant 28 : index
    %swap3A_811 = vector.load %arg3[%swap3A_809, %swap3A_810] : memref<256x56xi32, #tpu.memory_space<vmem>>, vector<256x1xi32>
    tpu.vector_store %arg3[%swap3A_809, %swap3A_810], %broadcast_in_dim3A_805 {strides = array<i32>} : memref<256x56xi32, #tpu.memory_space<vmem>>, vector<256x1xi32>,
    %eq3A_812 = vector.broadcast %broadcast_in_dim3A_805 : vector<256x1xi32> to vector<256x2048xi32>
    %eq3A_813 = arith.cmpi eq, %iota3A, %eq3A_812 : vector<256x2048xi32>
    %jit3A_814 = arith.constant 0xFF800000 : f32
    %broadcast_in_dim3A_815 = vector.broadcast %jit3A_814 : f32 to vector<256x2048xf32>
    %select_n3A_816 = arith.select %eq3A_813, %broadcast_in_dim3A_815, %get3A_794 : vector<256x2048xi1>, vector<256x2048xf32>
    %swap3A_817 = arith.constant 0 : index
    %swap3A_818 = arith.constant 0 : index
    %swap3A_819 = vector.load %arg4[%swap3A_817, %swap3A_818] : memref<256x2048xf32, #tpu.memory_space<vmem>>, vector<256x2048xf32>
    tpu.vector_store %arg4[%swap3A_817, %swap3A_818], %select_n3A_816 {strides = array<i32>} : memref<256x2048xf32, #tpu.memory_space<vmem>>, vector<256x2048xf32>,
    %get3A_820 = arith.constant 0 : index
    %get3A_821 = arith.constant 0 : index
    %get3A_822 = vector.load %arg4[%get3A_820, %get3A_821] : memref<256x2048xf32, #tpu.memory_space<vmem>>, vector<256x2048xf32>
    %reduce_max3A_823 = arith.constant dense<0xFF800000> : vector<256xf32>
    %reduce_max3A_824 = vector.multi_reduction <maximumf>, %get3A_822, %reduce_max3A_823 [1] : vector<256x2048xf32> to vector<256xf32>
    %broadcast_in_dim3A_825 = vector.shape_cast %reduce_max3A_824 : vector<256xf32> to vector<256x1xf32>
    %eq3A_826 = vector.broadcast %broadcast_in_dim3A_825 : vector<256x1xf32> to vector<256x2048xf32>
    %eq3A_827 = arith.cmpf oeq, %get3A_822, %eq3A_826 : vector<256x2048xf32>
    %jit3A_828 = arith.constant 1073741824 : i32
    %broadcast_in_dim3A_829 = vector.broadcast %jit3A_828 : i32 to vector<256x2048xi32>
    %select_n3A_830 = arith.select %eq3A_827, %iota3A, %broadcast_in_dim3A_829 : vector<256x2048xi1>, vector<256x2048xi32>
    %reduce_min3A_831 = arith.constant dense<2147483647> : vector<256xi32>
    %reduce_min3A_832 = vector.multi_reduction <minsi>, %select_n3A_830, %reduce_min3A_831 [1] : vector<256x2048xi32> to vector<256xi32>
    %broadcast_in_dim3A_833 = vector.shape_cast %reduce_min3A_832 : vector<256xi32> to vector<256x1xi32>
    %swap3A_834 = arith.constant 0 : index
    %swap3A_835 = arith.constant 29 : index
    %swap3A_836 = vector.load %arg2[%swap3A_834, %swap3A_835] : memref<256x56xf32, #tpu.memory_space<vmem>>, vector<256x1xf32>
    tpu.vector_store %arg2[%swap3A_834, %swap3A_835], %broadcast_in_dim3A_825 {strides = array<i32>} : memref<256x56xf32, #tpu.memory_space<vmem>>, vector<256x1xf32>,
    %swap3A_837 = arith.constant 0 : index
    %swap3A_838 = arith.constant 29 : index
    %swap3A_839 = vector.load %arg3[%swap3A_837, %swap3A_838] : memref<256x56xi32, #tpu.memory_space<vmem>>, vector<256x1xi32>
    tpu.vector_store %arg3[%swap3A_837, %swap3A_838], %broadcast_in_dim3A_833 {strides = array<i32>} : memref<256x56xi32, #tpu.memory_space<vmem>>, vector<256x1xi32>,
    %eq3A_840 = vector.broadcast %broadcast_in_dim3A_833 : vector<256x1xi32> to vector<256x2048xi32>
    %eq3A_841 = arith.cmpi eq, %iota3A, %eq3A_840 : vector<256x2048xi32>
    %jit3A_842 = arith.constant 0xFF800000 : f32
    %broadcast_in_dim3A_843 = vector.broadcast %jit3A_842 : f32 to vector<256x2048xf32>
    %select_n3A_844 = arith.select %eq3A_841, %broadcast_in_dim3A_843, %get3A_822 : vector<256x2048xi1>, vector<256x2048xf32>
    %swap3A_845 = arith.constant 0 : index
    %swap3A_846 = arith.constant 0 : index
    %swap3A_847 = vector.load %arg4[%swap3A_845, %swap3A_846] : memref<256x2048xf32, #tpu.memory_space<vmem>>, vector<256x2048xf32>
    tpu.vector_store %arg4[%swap3A_845, %swap3A_846], %select_n3A_844 {strides = array<i32>} : memref<256x2048xf32, #tpu.memory_space<vmem>>, vector<256x2048xf32>,
    %get3A_848 = arith.constant 0 : index
    %get3A_849 = arith.constant 0 : index
    %get3A_850 = vector.load %arg4[%get3A_848, %get3A_849] : memref<256x2048xf32, #tpu.memory_space<vmem>>, vector<256x2048xf32>
    %reduce_max3A_851 = arith.constant dense<0xFF800000> : vector<256xf32>
    %reduce_max3A_852 = vector.multi_reduction <maximumf>, %get3A_850, %reduce_max3A_851 [1] : vector<256x2048xf32> to vector<256xf32>
    %broadcast_in_dim3A_853 = vector.shape_cast %reduce_max3A_852 : vector<256xf32> to vector<256x1xf32>
    %eq3A_854 = vector.broadcast %broadcast_in_dim3A_853 : vector<256x1xf32> to vector<256x2048xf32>
    %eq3A_855 = arith.cmpf oeq, %get3A_850, %eq3A_854 : vector<256x2048xf32>
    %jit3A_856 = arith.constant 1073741824 : i32
    %broadcast_in_dim3A_857 = vector.broadcast %jit3A_856 : i32 to vector<256x2048xi32>
    %select_n3A_858 = arith.select %eq3A_855, %iota3A, %broadcast_in_dim3A_857 : vector<256x2048xi1>, vector<256x2048xi32>
    %reduce_min3A_859 = arith.constant dense<2147483647> : vector<256xi32>
    %reduce_min3A_860 = vector.multi_reduction <minsi>, %select_n3A_858, %reduce_min3A_859 [1] : vector<256x2048xi32> to vector<256xi32>
    %broadcast_in_dim3A_861 = vector.shape_cast %reduce_min3A_860 : vector<256xi32> to vector<256x1xi32>
    %swap3A_862 = arith.constant 0 : index
    %swap3A_863 = arith.constant 30 : index
    %swap3A_864 = vector.load %arg2[%swap3A_862, %swap3A_863] : memref<256x56xf32, #tpu.memory_space<vmem>>, vector<256x1xf32>
    tpu.vector_store %arg2[%swap3A_862, %swap3A_863], %broadcast_in_dim3A_853 {strides = array<i32>} : memref<256x56xf32, #tpu.memory_space<vmem>>, vector<256x1xf32>,
    %swap3A_865 = arith.constant 0 : index
    %swap3A_866 = arith.constant 30 : index
    %swap3A_867 = vector.load %arg3[%swap3A_865, %swap3A_866] : memref<256x56xi32, #tpu.memory_space<vmem>>, vector<256x1xi32>
    tpu.vector_store %arg3[%swap3A_865, %swap3A_866], %broadcast_in_dim3A_861 {strides = array<i32>} : memref<256x56xi32, #tpu.memory_space<vmem>>, vector<256x1xi32>,
    %eq3A_868 = vector.broadcast %broadcast_in_dim3A_861 : vector<256x1xi32> to vector<256x2048xi32>
    %eq3A_869 = arith.cmpi eq, %iota3A, %eq3A_868 : vector<256x2048xi32>
    %jit3A_870 = arith.constant 0xFF800000 : f32
    %broadcast_in_dim3A_871 = vector.broadcast %jit3A_870 : f32 to vector<256x2048xf32>
    %select_n3A_872 = arith.select %eq3A_869, %broadcast_in_dim3A_871, %get3A_850 : vector<256x2048xi1>, vector<256x2048xf32>
    %swap3A_873 = arith.constant 0 : index
    %swap3A_874 = arith.constant 0 : index
    %swap3A_875 = vector.load %arg4[%swap3A_873, %swap3A_874] : memref<256x2048xf32, #tpu.memory_space<vmem>>, vector<256x2048xf32>
    tpu.vector_store %arg4[%swap3A_873, %swap3A_874], %select_n3A_872 {strides = array<i32>} : memref<256x2048xf32, #tpu.memory_space<vmem>>, vector<256x2048xf32>,
    %get3A_876 = arith.constant 0 : index
    %get3A_877 = arith.constant 0 : index
    %get3A_878 = vector.load %arg4[%get3A_876, %get3A_877] : memref<256x2048xf32, #tpu.memory_space<vmem>>, vector<256x2048xf32>
    %reduce_max3A_879 = arith.constant dense<0xFF800000> : vector<256xf32>
    %reduce_max3A_880 = vector.multi_reduction <maximumf>, %get3A_878, %reduce_max3A_879 [1] : vector<256x2048xf32> to vector<256xf32>
    %broadcast_in_dim3A_881 = vector.shape_cast %reduce_max3A_880 : vector<256xf32> to vector<256x1xf32>
    %eq3A_882 = vector.broadcast %broadcast_in_dim3A_881 : vector<256x1xf32> to vector<256x2048xf32>
    %eq3A_883 = arith.cmpf oeq, %get3A_878, %eq3A_882 : vector<256x2048xf32>
    %jit3A_884 = arith.constant 1073741824 : i32
    %broadcast_in_dim3A_885 = vector.broadcast %jit3A_884 : i32 to vector<256x2048xi32>
    %select_n3A_886 = arith.select %eq3A_883, %iota3A, %broadcast_in_dim3A_885 : vector<256x2048xi1>, vector<256x2048xi32>
    %reduce_min3A_887 = arith.constant dense<2147483647> : vector<256xi32>
    %reduce_min3A_888 = vector.multi_reduction <minsi>, %select_n3A_886, %reduce_min3A_887 [1] : vector<256x2048xi32> to vector<256xi32>
    %broadcast_in_dim3A_889 = vector.shape_cast %reduce_min3A_888 : vector<256xi32> to vector<256x1xi32>
    %swap3A_890 = arith.constant 0 : index
    %swap3A_891 = arith.constant 31 : index
    %swap3A_892 = vector.load %arg2[%swap3A_890, %swap3A_891] : memref<256x56xf32, #tpu.memory_space<vmem>>, vector<256x1xf32>
    tpu.vector_store %arg2[%swap3A_890, %swap3A_891], %broadcast_in_dim3A_881 {strides = array<i32>} : memref<256x56xf32, #tpu.memory_space<vmem>>, vector<256x1xf32>,
    %swap3A_893 = arith.constant 0 : index
    %swap3A_894 = arith.constant 31 : index
    %swap3A_895 = vector.load %arg3[%swap3A_893, %swap3A_894] : memref<256x56xi32, #tpu.memory_space<vmem>>, vector<256x1xi32>
    tpu.vector_store %arg3[%swap3A_893, %swap3A_894], %broadcast_in_dim3A_889 {strides = array<i32>} : memref<256x56xi32, #tpu.memory_space<vmem>>, vector<256x1xi32>,
    %eq3A_896 = vector.broadcast %broadcast_in_dim3A_889 : vector<256x1xi32> to vector<256x2048xi32>
    %eq3A_897 = arith.cmpi eq, %iota3A, %eq3A_896 : vector<256x2048xi32>
    %jit3A_898 = arith.constant 0xFF800000 : f32
    %broadcast_in_dim3A_899 = vector.broadcast %jit3A_898 : f32 to vector<256x2048xf32>
    %select_n3A_900 = arith.select %eq3A_897, %broadcast_in_dim3A_899, %get3A_878 : vector<256x2048xi1>, vector<256x2048xf32>
    %swap3A_901 = arith.constant 0 : index
    %swap3A_902 = arith.constant 0 : index
    %swap3A_903 = vector.load %arg4[%swap3A_901, %swap3A_902] : memref<256x2048xf32, #tpu.memory_space<vmem>>, vector<256x2048xf32>
    tpu.vector_store %arg4[%swap3A_901, %swap3A_902], %select_n3A_900 {strides = array<i32>} : memref<256x2048xf32, #tpu.memory_space<vmem>>, vector<256x2048xf32>,
    %get3A_904 = arith.constant 0 : index
    %get3A_905 = arith.constant 0 : index
    %get3A_906 = vector.load %arg4[%get3A_904, %get3A_905] : memref<256x2048xf32, #tpu.memory_space<vmem>>, vector<256x2048xf32>
    %reduce_max3A_907 = arith.constant dense<0xFF800000> : vector<256xf32>
    %reduce_max3A_908 = vector.multi_reduction <maximumf>, %get3A_906, %reduce_max3A_907 [1] : vector<256x2048xf32> to vector<256xf32>
    %broadcast_in_dim3A_909 = vector.shape_cast %reduce_max3A_908 : vector<256xf32> to vector<256x1xf32>
    %eq3A_910 = vector.broadcast %broadcast_in_dim3A_909 : vector<256x1xf32> to vector<256x2048xf32>
    %eq3A_911 = arith.cmpf oeq, %get3A_906, %eq3A_910 : vector<256x2048xf32>
    %jit3A_912 = arith.constant 1073741824 : i32
    %broadcast_in_dim3A_913 = vector.broadcast %jit3A_912 : i32 to vector<256x2048xi32>
    %select_n3A_914 = arith.select %eq3A_911, %iota3A, %broadcast_in_dim3A_913 : vector<256x2048xi1>, vector<256x2048xi32>
    %reduce_min3A_915 = arith.constant dense<2147483647> : vector<256xi32>
    %reduce_min3A_916 = vector.multi_reduction <minsi>, %select_n3A_914, %reduce_min3A_915 [1] : vector<256x2048xi32> to vector<256xi32>
    %broadcast_in_dim3A_917 = vector.shape_cast %reduce_min3A_916 : vector<256xi32> to vector<256x1xi32>
    %swap3A_918 = arith.constant 0 : index
    %swap3A_919 = arith.constant 32 : index
    %swap3A_920 = vector.load %arg2[%swap3A_918, %swap3A_919] : memref<256x56xf32, #tpu.memory_space<vmem>>, vector<256x1xf32>
    tpu.vector_store %arg2[%swap3A_918, %swap3A_919], %broadcast_in_dim3A_909 {strides = array<i32>} : memref<256x56xf32, #tpu.memory_space<vmem>>, vector<256x1xf32>,
    %swap3A_921 = arith.constant 0 : index
    %swap3A_922 = arith.constant 32 : index
    %swap3A_923 = vector.load %arg3[%swap3A_921, %swap3A_922] : memref<256x56xi32, #tpu.memory_space<vmem>>, vector<256x1xi32>
    tpu.vector_store %arg3[%swap3A_921, %swap3A_922], %broadcast_in_dim3A_917 {strides = array<i32>} : memref<256x56xi32, #tpu.memory_space<vmem>>, vector<256x1xi32>,
    %eq3A_924 = vector.broadcast %broadcast_in_dim3A_917 : vector<256x1xi32> to vector<256x2048xi32>
    %eq3A_925 = arith.cmpi eq, %iota3A, %eq3A_924 : vector<256x2048xi32>
    %jit3A_926 = arith.constant 0xFF800000 : f32
    %broadcast_in_dim3A_927 = vector.broadcast %jit3A_926 : f32 to vector<256x2048xf32>
    %select_n3A_928 = arith.select %eq3A_925, %broadcast_in_dim3A_927, %get3A_906 : vector<256x2048xi1>, vector<256x2048xf32>
    %swap3A_929 = arith.constant 0 : index
    %swap3A_930 = arith.constant 0 : index
    %swap3A_931 = vector.load %arg4[%swap3A_929, %swap3A_930] : memref<256x2048xf32, #tpu.memory_space<vmem>>, vector<256x2048xf32>
    tpu.vector_store %arg4[%swap3A_929, %swap3A_930], %select_n3A_928 {strides = array<i32>} : memref<256x2048xf32, #tpu.memory_space<vmem>>, vector<256x2048xf32>,
    %get3A_932 = arith.constant 0 : index
    %get3A_933 = arith.constant 0 : index
    %get3A_934 = vector.load %arg4[%get3A_932, %get3A_933] : memref<256x2048xf32, #tpu.memory_space<vmem>>, vector<256x2048xf32>
    %reduce_max3A_935 = arith.constant dense<0xFF800000> : vector<256xf32>
    %reduce_max3A_936 = vector.multi_reduction <maximumf>, %get3A_934, %reduce_max3A_935 [1] : vector<256x2048xf32> to vector<256xf32>
    %broadcast_in_dim3A_937 = vector.shape_cast %reduce_max3A_936 : vector<256xf32> to vector<256x1xf32>
    %eq3A_938 = vector.broadcast %broadcast_in_dim3A_937 : vector<256x1xf32> to vector<256x2048xf32>
    %eq3A_939 = arith.cmpf oeq, %get3A_934, %eq3A_938 : vector<256x2048xf32>
    %jit3A_940 = arith.constant 1073741824 : i32
    %broadcast_in_dim3A_941 = vector.broadcast %jit3A_940 : i32 to vector<256x2048xi32>
    %select_n3A_942 = arith.select %eq3A_939, %iota3A, %broadcast_in_dim3A_941 : vector<256x2048xi1>, vector<256x2048xi32>
    %reduce_min3A_943 = arith.constant dense<2147483647> : vector<256xi32>
    %reduce_min3A_944 = vector.multi_reduction <minsi>, %select_n3A_942, %reduce_min3A_943 [1] : vector<256x2048xi32> to vector<256xi32>
    %broadcast_in_dim3A_945 = vector.shape_cast %reduce_min3A_944 : vector<256xi32> to vector<256x1xi32>
    %swap3A_946 = arith.constant 0 : index
    %swap3A_947 = arith.constant 33 : index
    %swap3A_948 = vector.load %arg2[%swap3A_946, %swap3A_947] : memref<256x56xf32, #tpu.memory_space<vmem>>, vector<256x1xf32>
    tpu.vector_store %arg2[%swap3A_946, %swap3A_947], %broadcast_in_dim3A_937 {strides = array<i32>} : memref<256x56xf32, #tpu.memory_space<vmem>>, vector<256x1xf32>,
    %swap3A_949 = arith.constant 0 : index
    %swap3A_950 = arith.constant 33 : index
    %swap3A_951 = vector.load %arg3[%swap3A_949, %swap3A_950] : memref<256x56xi32, #tpu.memory_space<vmem>>, vector<256x1xi32>
    tpu.vector_store %arg3[%swap3A_949, %swap3A_950], %broadcast_in_dim3A_945 {strides = array<i32>} : memref<256x56xi32, #tpu.memory_space<vmem>>, vector<256x1xi32>,
    %eq3A_952 = vector.broadcast %broadcast_in_dim3A_945 : vector<256x1xi32> to vector<256x2048xi32>
    %eq3A_953 = arith.cmpi eq, %iota3A, %eq3A_952 : vector<256x2048xi32>
    %jit3A_954 = arith.constant 0xFF800000 : f32
    %broadcast_in_dim3A_955 = vector.broadcast %jit3A_954 : f32 to vector<256x2048xf32>
    %select_n3A_956 = arith.select %eq3A_953, %broadcast_in_dim3A_955, %get3A_934 : vector<256x2048xi1>, vector<256x2048xf32>
    %swap3A_957 = arith.constant 0 : index
    %swap3A_958 = arith.constant 0 : index
    %swap3A_959 = vector.load %arg4[%swap3A_957, %swap3A_958] : memref<256x2048xf32, #tpu.memory_space<vmem>>, vector<256x2048xf32>
    tpu.vector_store %arg4[%swap3A_957, %swap3A_958], %select_n3A_956 {strides = array<i32>} : memref<256x2048xf32, #tpu.memory_space<vmem>>, vector<256x2048xf32>,
    %get3A_960 = arith.constant 0 : index
    %get3A_961 = arith.constant 0 : index
    %get3A_962 = vector.load %arg4[%get3A_960, %get3A_961] : memref<256x2048xf32, #tpu.memory_space<vmem>>, vector<256x2048xf32>
    %reduce_max3A_963 = arith.constant dense<0xFF800000> : vector<256xf32>
    %reduce_max3A_964 = vector.multi_reduction <maximumf>, %get3A_962, %reduce_max3A_963 [1] : vector<256x2048xf32> to vector<256xf32>
    %broadcast_in_dim3A_965 = vector.shape_cast %reduce_max3A_964 : vector<256xf32> to vector<256x1xf32>
    %eq3A_966 = vector.broadcast %broadcast_in_dim3A_965 : vector<256x1xf32> to vector<256x2048xf32>
    %eq3A_967 = arith.cmpf oeq, %get3A_962, %eq3A_966 : vector<256x2048xf32>
    %jit3A_968 = arith.constant 1073741824 : i32
    %broadcast_in_dim3A_969 = vector.broadcast %jit3A_968 : i32 to vector<256x2048xi32>
    %select_n3A_970 = arith.select %eq3A_967, %iota3A, %broadcast_in_dim3A_969 : vector<256x2048xi1>, vector<256x2048xi32>
    %reduce_min3A_971 = arith.constant dense<2147483647> : vector<256xi32>
    %reduce_min3A_972 = vector.multi_reduction <minsi>, %select_n3A_970, %reduce_min3A_971 [1] : vector<256x2048xi32> to vector<256xi32>
    %broadcast_in_dim3A_973 = vector.shape_cast %reduce_min3A_972 : vector<256xi32> to vector<256x1xi32>
    %swap3A_974 = arith.constant 0 : index
    %swap3A_975 = arith.constant 34 : index
    %swap3A_976 = vector.load %arg2[%swap3A_974, %swap3A_975] : memref<256x56xf32, #tpu.memory_space<vmem>>, vector<256x1xf32>
    tpu.vector_store %arg2[%swap3A_974, %swap3A_975], %broadcast_in_dim3A_965 {strides = array<i32>} : memref<256x56xf32, #tpu.memory_space<vmem>>, vector<256x1xf32>,
    %swap3A_977 = arith.constant 0 : index
    %swap3A_978 = arith.constant 34 : index
    %swap3A_979 = vector.load %arg3[%swap3A_977, %swap3A_978] : memref<256x56xi32, #tpu.memory_space<vmem>>, vector<256x1xi32>
    tpu.vector_store %arg3[%swap3A_977, %swap3A_978], %broadcast_in_dim3A_973 {strides = array<i32>} : memref<256x56xi32, #tpu.memory_space<vmem>>, vector<256x1xi32>,
    %eq3A_980 = vector.broadcast %broadcast_in_dim3A_973 : vector<256x1xi32> to vector<256x2048xi32>
    %eq3A_981 = arith.cmpi eq, %iota3A, %eq3A_980 : vector<256x2048xi32>
    %jit3A_982 = arith.constant 0xFF800000 : f32
    %broadcast_in_dim3A_983 = vector.broadcast %jit3A_982 : f32 to vector<256x2048xf32>
    %select_n3A_984 = arith.select %eq3A_981, %broadcast_in_dim3A_983, %get3A_962 : vector<256x2048xi1>, vector<256x2048xf32>
    %swap3A_985 = arith.constant 0 : index
    %swap3A_986 = arith.constant 0 : index
    %swap3A_987 = vector.load %arg4[%swap3A_985, %swap3A_986] : memref<256x2048xf32, #tpu.memory_space<vmem>>, vector<256x2048xf32>
    tpu.vector_store %arg4[%swap3A_985, %swap3A_986], %select_n3A_984 {strides = array<i32>} : memref<256x2048xf32, #tpu.memory_space<vmem>>, vector<256x2048xf32>,
    %get3A_988 = arith.constant 0 : index
    %get3A_989 = arith.constant 0 : index
    %get3A_990 = vector.load %arg4[%get3A_988, %get3A_989] : memref<256x2048xf32, #tpu.memory_space<vmem>>, vector<256x2048xf32>
    %reduce_max3A_991 = arith.constant dense<0xFF800000> : vector<256xf32>
    %reduce_max3A_992 = vector.multi_reduction <maximumf>, %get3A_990, %reduce_max3A_991 [1] : vector<256x2048xf32> to vector<256xf32>
    %broadcast_in_dim3A_993 = vector.shape_cast %reduce_max3A_992 : vector<256xf32> to vector<256x1xf32>
    %eq3A_994 = vector.broadcast %broadcast_in_dim3A_993 : vector<256x1xf32> to vector<256x2048xf32>
    %eq3A_995 = arith.cmpf oeq, %get3A_990, %eq3A_994 : vector<256x2048xf32>
    %jit3A_996 = arith.constant 1073741824 : i32
    %broadcast_in_dim3A_997 = vector.broadcast %jit3A_996 : i32 to vector<256x2048xi32>
    %select_n3A_998 = arith.select %eq3A_995, %iota3A, %broadcast_in_dim3A_997 : vector<256x2048xi1>, vector<256x2048xi32>
    %reduce_min3A_999 = arith.constant dense<2147483647> : vector<256xi32>
    %reduce_min3A_1000 = vector.multi_reduction <minsi>, %select_n3A_998, %reduce_min3A_999 [1] : vector<256x2048xi32> to vector<256xi32>
    %broadcast_in_dim3A_1001 = vector.shape_cast %reduce_min3A_1000 : vector<256xi32> to vector<256x1xi32>
    %swap3A_1002 = arith.constant 0 : index
    %swap3A_1003 = arith.constant 35 : index
    %swap3A_1004 = vector.load %arg2[%swap3A_1002, %swap3A_1003] : memref<256x56xf32, #tpu.memory_space<vmem>>, vector<256x1xf32>
    tpu.vector_store %arg2[%swap3A_1002, %swap3A_1003], %broadcast_in_dim3A_993 {strides = array<i32>} : memref<256x56xf32, #tpu.memory_space<vmem>>, vector<256x1xf32>,
    %swap3A_1005 = arith.constant 0 : index
    %swap3A_1006 = arith.constant 35 : index
    %swap3A_1007 = vector.load %arg3[%swap3A_1005, %swap3A_1006] : memref<256x56xi32, #tpu.memory_space<vmem>>, vector<256x1xi32>
    tpu.vector_store %arg3[%swap3A_1005, %swap3A_1006], %broadcast_in_dim3A_1001 {strides = array<i32>} : memref<256x56xi32, #tpu.memory_space<vmem>>, vector<256x1xi32>,
    %eq3A_1008 = vector.broadcast %broadcast_in_dim3A_1001 : vector<256x1xi32> to vector<256x2048xi32>
    %eq3A_1009 = arith.cmpi eq, %iota3A, %eq3A_1008 : vector<256x2048xi32>
    %jit3A_1010 = arith.constant 0xFF800000 : f32
    %broadcast_in_dim3A_1011 = vector.broadcast %jit3A_1010 : f32 to vector<256x2048xf32>
    %select_n3A_1012 = arith.select %eq3A_1009, %broadcast_in_dim3A_1011, %get3A_990 : vector<256x2048xi1>, vector<256x2048xf32>
    %swap3A_1013 = arith.constant 0 : index
    %swap3A_1014 = arith.constant 0 : index
    %swap3A_1015 = vector.load %arg4[%swap3A_1013, %swap3A_1014] : memref<256x2048xf32, #tpu.memory_space<vmem>>, vector<256x2048xf32>
    tpu.vector_store %arg4[%swap3A_1013, %swap3A_1014], %select_n3A_1012 {strides = array<i32>} : memref<256x2048xf32, #tpu.memory_space<vmem>>, vector<256x2048xf32>,
    %get3A_1016 = arith.constant 0 : index
    %get3A_1017 = arith.constant 0 : index
    %get3A_1018 = vector.load %arg4[%get3A_1016, %get3A_1017] : memref<256x2048xf32, #tpu.memory_space<vmem>>, vector<256x2048xf32>
    %reduce_max3A_1019 = arith.constant dense<0xFF800000> : vector<256xf32>
    %reduce_max3A_1020 = vector.multi_reduction <maximumf>, %get3A_1018, %reduce_max3A_1019 [1] : vector<256x2048xf32> to vector<256xf32>
    %broadcast_in_dim3A_1021 = vector.shape_cast %reduce_max3A_1020 : vector<256xf32> to vector<256x1xf32>
    %eq3A_1022 = vector.broadcast %broadcast_in_dim3A_1021 : vector<256x1xf32> to vector<256x2048xf32>
    %eq3A_1023 = arith.cmpf oeq, %get3A_1018, %eq3A_1022 : vector<256x2048xf32>
    %jit3A_1024 = arith.constant 1073741824 : i32
    %broadcast_in_dim3A_1025 = vector.broadcast %jit3A_1024 : i32 to vector<256x2048xi32>
    %select_n3A_1026 = arith.select %eq3A_1023, %iota3A, %broadcast_in_dim3A_1025 : vector<256x2048xi1>, vector<256x2048xi32>
    %reduce_min3A_1027 = arith.constant dense<2147483647> : vector<256xi32>
    %reduce_min3A_1028 = vector.multi_reduction <minsi>, %select_n3A_1026, %reduce_min3A_1027 [1] : vector<256x2048xi32> to vector<256xi32>
    %broadcast_in_dim3A_1029 = vector.shape_cast %reduce_min3A_1028 : vector<256xi32> to vector<256x1xi32>
    %swap3A_1030 = arith.constant 0 : index
    %swap3A_1031 = arith.constant 36 : index
    %swap3A_1032 = vector.load %arg2[%swap3A_1030, %swap3A_1031] : memref<256x56xf32, #tpu.memory_space<vmem>>, vector<256x1xf32>
    tpu.vector_store %arg2[%swap3A_1030, %swap3A_1031], %broadcast_in_dim3A_1021 {strides = array<i32>} : memref<256x56xf32, #tpu.memory_space<vmem>>, vector<256x1xf32>,
    %swap3A_1033 = arith.constant 0 : index
    %swap3A_1034 = arith.constant 36 : index
    %swap3A_1035 = vector.load %arg3[%swap3A_1033, %swap3A_1034] : memref<256x56xi32, #tpu.memory_space<vmem>>, vector<256x1xi32>
    tpu.vector_store %arg3[%swap3A_1033, %swap3A_1034], %broadcast_in_dim3A_1029 {strides = array<i32>} : memref<256x56xi32, #tpu.memory_space<vmem>>, vector<256x1xi32>,
    %eq3A_1036 = vector.broadcast %broadcast_in_dim3A_1029 : vector<256x1xi32> to vector<256x2048xi32>
    %eq3A_1037 = arith.cmpi eq, %iota3A, %eq3A_1036 : vector<256x2048xi32>
    %jit3A_1038 = arith.constant 0xFF800000 : f32
    %broadcast_in_dim3A_1039 = vector.broadcast %jit3A_1038 : f32 to vector<256x2048xf32>
    %select_n3A_1040 = arith.select %eq3A_1037, %broadcast_in_dim3A_1039, %get3A_1018 : vector<256x2048xi1>, vector<256x2048xf32>
    %swap3A_1041 = arith.constant 0 : index
    %swap3A_1042 = arith.constant 0 : index
    %swap3A_1043 = vector.load %arg4[%swap3A_1041, %swap3A_1042] : memref<256x2048xf32, #tpu.memory_space<vmem>>, vector<256x2048xf32>
    tpu.vector_store %arg4[%swap3A_1041, %swap3A_1042], %select_n3A_1040 {strides = array<i32>} : memref<256x2048xf32, #tpu.memory_space<vmem>>, vector<256x2048xf32>,
    %get3A_1044 = arith.constant 0 : index
    %get3A_1045 = arith.constant 0 : index
    %get3A_1046 = vector.load %arg4[%get3A_1044, %get3A_1045] : memref<256x2048xf32, #tpu.memory_space<vmem>>, vector<256x2048xf32>
    %reduce_max3A_1047 = arith.constant dense<0xFF800000> : vector<256xf32>
    %reduce_max3A_1048 = vector.multi_reduction <maximumf>, %get3A_1046, %reduce_max3A_1047 [1] : vector<256x2048xf32> to vector<256xf32>
    %broadcast_in_dim3A_1049 = vector.shape_cast %reduce_max3A_1048 : vector<256xf32> to vector<256x1xf32>
    %eq3A_1050 = vector.broadcast %broadcast_in_dim3A_1049 : vector<256x1xf32> to vector<256x2048xf32>
    %eq3A_1051 = arith.cmpf oeq, %get3A_1046, %eq3A_1050 : vector<256x2048xf32>
    %jit3A_1052 = arith.constant 1073741824 : i32
    %broadcast_in_dim3A_1053 = vector.broadcast %jit3A_1052 : i32 to vector<256x2048xi32>
    %select_n3A_1054 = arith.select %eq3A_1051, %iota3A, %broadcast_in_dim3A_1053 : vector<256x2048xi1>, vector<256x2048xi32>
    %reduce_min3A_1055 = arith.constant dense<2147483647> : vector<256xi32>
    %reduce_min3A_1056 = vector.multi_reduction <minsi>, %select_n3A_1054, %reduce_min3A_1055 [1] : vector<256x2048xi32> to vector<256xi32>
    %broadcast_in_dim3A_1057 = vector.shape_cast %reduce_min3A_1056 : vector<256xi32> to vector<256x1xi32>
    %swap3A_1058 = arith.constant 0 : index
    %swap3A_1059 = arith.constant 37 : index
    %swap3A_1060 = vector.load %arg2[%swap3A_1058, %swap3A_1059] : memref<256x56xf32, #tpu.memory_space<vmem>>, vector<256x1xf32>
    tpu.vector_store %arg2[%swap3A_1058, %swap3A_1059], %broadcast_in_dim3A_1049 {strides = array<i32>} : memref<256x56xf32, #tpu.memory_space<vmem>>, vector<256x1xf32>,
    %swap3A_1061 = arith.constant 0 : index
    %swap3A_1062 = arith.constant 37 : index
    %swap3A_1063 = vector.load %arg3[%swap3A_1061, %swap3A_1062] : memref<256x56xi32, #tpu.memory_space<vmem>>, vector<256x1xi32>
    tpu.vector_store %arg3[%swap3A_1061, %swap3A_1062], %broadcast_in_dim3A_1057 {strides = array<i32>} : memref<256x56xi32, #tpu.memory_space<vmem>>, vector<256x1xi32>,
    %eq3A_1064 = vector.broadcast %broadcast_in_dim3A_1057 : vector<256x1xi32> to vector<256x2048xi32>
    %eq3A_1065 = arith.cmpi eq, %iota3A, %eq3A_1064 : vector<256x2048xi32>
    %jit3A_1066 = arith.constant 0xFF800000 : f32
    %broadcast_in_dim3A_1067 = vector.broadcast %jit3A_1066 : f32 to vector<256x2048xf32>
    %select_n3A_1068 = arith.select %eq3A_1065, %broadcast_in_dim3A_1067, %get3A_1046 : vector<256x2048xi1>, vector<256x2048xf32>
    %swap3A_1069 = arith.constant 0 : index
    %swap3A_1070 = arith.constant 0 : index
    %swap3A_1071 = vector.load %arg4[%swap3A_1069, %swap3A_1070] : memref<256x2048xf32, #tpu.memory_space<vmem>>, vector<256x2048xf32>
    tpu.vector_store %arg4[%swap3A_1069, %swap3A_1070], %select_n3A_1068 {strides = array<i32>} : memref<256x2048xf32, #tpu.memory_space<vmem>>, vector<256x2048xf32>,
    %get3A_1072 = arith.constant 0 : index
    %get3A_1073 = arith.constant 0 : index
    %get3A_1074 = vector.load %arg4[%get3A_1072, %get3A_1073] : memref<256x2048xf32, #tpu.memory_space<vmem>>, vector<256x2048xf32>
    %reduce_max3A_1075 = arith.constant dense<0xFF800000> : vector<256xf32>
    %reduce_max3A_1076 = vector.multi_reduction <maximumf>, %get3A_1074, %reduce_max3A_1075 [1] : vector<256x2048xf32> to vector<256xf32>
    %broadcast_in_dim3A_1077 = vector.shape_cast %reduce_max3A_1076 : vector<256xf32> to vector<256x1xf32>
    %eq3A_1078 = vector.broadcast %broadcast_in_dim3A_1077 : vector<256x1xf32> to vector<256x2048xf32>
    %eq3A_1079 = arith.cmpf oeq, %get3A_1074, %eq3A_1078 : vector<256x2048xf32>
    %jit3A_1080 = arith.constant 1073741824 : i32
    %broadcast_in_dim3A_1081 = vector.broadcast %jit3A_1080 : i32 to vector<256x2048xi32>
    %select_n3A_1082 = arith.select %eq3A_1079, %iota3A, %broadcast_in_dim3A_1081 : vector<256x2048xi1>, vector<256x2048xi32>
    %reduce_min3A_1083 = arith.constant dense<2147483647> : vector<256xi32>
    %reduce_min3A_1084 = vector.multi_reduction <minsi>, %select_n3A_1082, %reduce_min3A_1083 [1] : vector<256x2048xi32> to vector<256xi32>
    %broadcast_in_dim3A_1085 = vector.shape_cast %reduce_min3A_1084 : vector<256xi32> to vector<256x1xi32>
    %swap3A_1086 = arith.constant 0 : index
    %swap3A_1087 = arith.constant 38 : index
    %swap3A_1088 = vector.load %arg2[%swap3A_1086, %swap3A_1087] : memref<256x56xf32, #tpu.memory_space<vmem>>, vector<256x1xf32>
    tpu.vector_store %arg2[%swap3A_1086, %swap3A_1087], %broadcast_in_dim3A_1077 {strides = array<i32>} : memref<256x56xf32, #tpu.memory_space<vmem>>, vector<256x1xf32>,
    %swap3A_1089 = arith.constant 0 : index
    %swap3A_1090 = arith.constant 38 : index
    %swap3A_1091 = vector.load %arg3[%swap3A_1089, %swap3A_1090] : memref<256x56xi32, #tpu.memory_space<vmem>>, vector<256x1xi32>
    tpu.vector_store %arg3[%swap3A_1089, %swap3A_1090], %broadcast_in_dim3A_1085 {strides = array<i32>} : memref<256x56xi32, #tpu.memory_space<vmem>>, vector<256x1xi32>,
    %eq3A_1092 = vector.broadcast %broadcast_in_dim3A_1085 : vector<256x1xi32> to vector<256x2048xi32>
    %eq3A_1093 = arith.cmpi eq, %iota3A, %eq3A_1092 : vector<256x2048xi32>
    %jit3A_1094 = arith.constant 0xFF800000 : f32
    %broadcast_in_dim3A_1095 = vector.broadcast %jit3A_1094 : f32 to vector<256x2048xf32>
    %select_n3A_1096 = arith.select %eq3A_1093, %broadcast_in_dim3A_1095, %get3A_1074 : vector<256x2048xi1>, vector<256x2048xf32>
    %swap3A_1097 = arith.constant 0 : index
    %swap3A_1098 = arith.constant 0 : index
    %swap3A_1099 = vector.load %arg4[%swap3A_1097, %swap3A_1098] : memref<256x2048xf32, #tpu.memory_space<vmem>>, vector<256x2048xf32>
    tpu.vector_store %arg4[%swap3A_1097, %swap3A_1098], %select_n3A_1096 {strides = array<i32>} : memref<256x2048xf32, #tpu.memory_space<vmem>>, vector<256x2048xf32>,
    %get3A_1100 = arith.constant 0 : index
    %get3A_1101 = arith.constant 0 : index
    %get3A_1102 = vector.load %arg4[%get3A_1100, %get3A_1101] : memref<256x2048xf32, #tpu.memory_space<vmem>>, vector<256x2048xf32>
    %reduce_max3A_1103 = arith.constant dense<0xFF800000> : vector<256xf32>
    %reduce_max3A_1104 = vector.multi_reduction <maximumf>, %get3A_1102, %reduce_max3A_1103 [1] : vector<256x2048xf32> to vector<256xf32>
    %broadcast_in_dim3A_1105 = vector.shape_cast %reduce_max3A_1104 : vector<256xf32> to vector<256x1xf32>
    %eq3A_1106 = vector.broadcast %broadcast_in_dim3A_1105 : vector<256x1xf32> to vector<256x2048xf32>
    %eq3A_1107 = arith.cmpf oeq, %get3A_1102, %eq3A_1106 : vector<256x2048xf32>
    %jit3A_1108 = arith.constant 1073741824 : i32
    %broadcast_in_dim3A_1109 = vector.broadcast %jit3A_1108 : i32 to vector<256x2048xi32>
    %select_n3A_1110 = arith.select %eq3A_1107, %iota3A, %broadcast_in_dim3A_1109 : vector<256x2048xi1>, vector<256x2048xi32>
    %reduce_min3A_1111 = arith.constant dense<2147483647> : vector<256xi32>
    %reduce_min3A_1112 = vector.multi_reduction <minsi>, %select_n3A_1110, %reduce_min3A_1111 [1] : vector<256x2048xi32> to vector<256xi32>
    %broadcast_in_dim3A_1113 = vector.shape_cast %reduce_min3A_1112 : vector<256xi32> to vector<256x1xi32>
    %swap3A_1114 = arith.constant 0 : index
    %swap3A_1115 = arith.constant 39 : index
    %swap3A_1116 = vector.load %arg2[%swap3A_1114, %swap3A_1115] : memref<256x56xf32, #tpu.memory_space<vmem>>, vector<256x1xf32>
    tpu.vector_store %arg2[%swap3A_1114, %swap3A_1115], %broadcast_in_dim3A_1105 {strides = array<i32>} : memref<256x56xf32, #tpu.memory_space<vmem>>, vector<256x1xf32>,
    %swap3A_1117 = arith.constant 0 : index
    %swap3A_1118 = arith.constant 39 : index
    %swap3A_1119 = vector.load %arg3[%swap3A_1117, %swap3A_1118] : memref<256x56xi32, #tpu.memory_space<vmem>>, vector<256x1xi32>
    tpu.vector_store %arg3[%swap3A_1117, %swap3A_1118], %broadcast_in_dim3A_1113 {strides = array<i32>} : memref<256x56xi32, #tpu.memory_space<vmem>>, vector<256x1xi32>,
    %eq3A_1120 = vector.broadcast %broadcast_in_dim3A_1113 : vector<256x1xi32> to vector<256x2048xi32>
    %eq3A_1121 = arith.cmpi eq, %iota3A, %eq3A_1120 : vector<256x2048xi32>
    %jit3A_1122 = arith.constant 0xFF800000 : f32
    %broadcast_in_dim3A_1123 = vector.broadcast %jit3A_1122 : f32 to vector<256x2048xf32>
    %select_n3A_1124 = arith.select %eq3A_1121, %broadcast_in_dim3A_1123, %get3A_1102 : vector<256x2048xi1>, vector<256x2048xf32>
    %swap3A_1125 = arith.constant 0 : index
    %swap3A_1126 = arith.constant 0 : index
    %swap3A_1127 = vector.load %arg4[%swap3A_1125, %swap3A_1126] : memref<256x2048xf32, #tpu.memory_space<vmem>>, vector<256x2048xf32>
    tpu.vector_store %arg4[%swap3A_1125, %swap3A_1126], %select_n3A_1124 {strides = array<i32>} : memref<256x2048xf32, #tpu.memory_space<vmem>>, vector<256x2048xf32>,
    %get3A_1128 = arith.constant 0 : index
    %get3A_1129 = arith.constant 0 : index
    %get3A_1130 = vector.load %arg4[%get3A_1128, %get3A_1129] : memref<256x2048xf32, #tpu.memory_space<vmem>>, vector<256x2048xf32>
    %reduce_max3A_1131 = arith.constant dense<0xFF800000> : vector<256xf32>
    %reduce_max3A_1132 = vector.multi_reduction <maximumf>, %get3A_1130, %reduce_max3A_1131 [1] : vector<256x2048xf32> to vector<256xf32>
    %broadcast_in_dim3A_1133 = vector.shape_cast %reduce_max3A_1132 : vector<256xf32> to vector<256x1xf32>
    %eq3A_1134 = vector.broadcast %broadcast_in_dim3A_1133 : vector<256x1xf32> to vector<256x2048xf32>
    %eq3A_1135 = arith.cmpf oeq, %get3A_1130, %eq3A_1134 : vector<256x2048xf32>
    %jit3A_1136 = arith.constant 1073741824 : i32
    %broadcast_in_dim3A_1137 = vector.broadcast %jit3A_1136 : i32 to vector<256x2048xi32>
    %select_n3A_1138 = arith.select %eq3A_1135, %iota3A, %broadcast_in_dim3A_1137 : vector<256x2048xi1>, vector<256x2048xi32>
    %reduce_min3A_1139 = arith.constant dense<2147483647> : vector<256xi32>
    %reduce_min3A_1140 = vector.multi_reduction <minsi>, %select_n3A_1138, %reduce_min3A_1139 [1] : vector<256x2048xi32> to vector<256xi32>
    %broadcast_in_dim3A_1141 = vector.shape_cast %reduce_min3A_1140 : vector<256xi32> to vector<256x1xi32>
    %swap3A_1142 = arith.constant 0 : index
    %swap3A_1143 = arith.constant 40 : index
    %swap3A_1144 = vector.load %arg2[%swap3A_1142, %swap3A_1143] : memref<256x56xf32, #tpu.memory_space<vmem>>, vector<256x1xf32>
    tpu.vector_store %arg2[%swap3A_1142, %swap3A_1143], %broadcast_in_dim3A_1133 {strides = array<i32>} : memref<256x56xf32, #tpu.memory_space<vmem>>, vector<256x1xf32>,
    %swap3A_1145 = arith.constant 0 : index
    %swap3A_1146 = arith.constant 40 : index
    %swap3A_1147 = vector.load %arg3[%swap3A_1145, %swap3A_1146] : memref<256x56xi32, #tpu.memory_space<vmem>>, vector<256x1xi32>
    tpu.vector_store %arg3[%swap3A_1145, %swap3A_1146], %broadcast_in_dim3A_1141 {strides = array<i32>} : memref<256x56xi32, #tpu.memory_space<vmem>>, vector<256x1xi32>,
    %eq3A_1148 = vector.broadcast %broadcast_in_dim3A_1141 : vector<256x1xi32> to vector<256x2048xi32>
    %eq3A_1149 = arith.cmpi eq, %iota3A, %eq3A_1148 : vector<256x2048xi32>
    %jit3A_1150 = arith.constant 0xFF800000 : f32
    %broadcast_in_dim3A_1151 = vector.broadcast %jit3A_1150 : f32 to vector<256x2048xf32>
    %select_n3A_1152 = arith.select %eq3A_1149, %broadcast_in_dim3A_1151, %get3A_1130 : vector<256x2048xi1>, vector<256x2048xf32>
    %swap3A_1153 = arith.constant 0 : index
    %swap3A_1154 = arith.constant 0 : index
    %swap3A_1155 = vector.load %arg4[%swap3A_1153, %swap3A_1154] : memref<256x2048xf32, #tpu.memory_space<vmem>>, vector<256x2048xf32>
    tpu.vector_store %arg4[%swap3A_1153, %swap3A_1154], %select_n3A_1152 {strides = array<i32>} : memref<256x2048xf32, #tpu.memory_space<vmem>>, vector<256x2048xf32>,
    %get3A_1156 = arith.constant 0 : index
    %get3A_1157 = arith.constant 0 : index
    %get3A_1158 = vector.load %arg4[%get3A_1156, %get3A_1157] : memref<256x2048xf32, #tpu.memory_space<vmem>>, vector<256x2048xf32>
    %reduce_max3A_1159 = arith.constant dense<0xFF800000> : vector<256xf32>
    %reduce_max3A_1160 = vector.multi_reduction <maximumf>, %get3A_1158, %reduce_max3A_1159 [1] : vector<256x2048xf32> to vector<256xf32>
    %broadcast_in_dim3A_1161 = vector.shape_cast %reduce_max3A_1160 : vector<256xf32> to vector<256x1xf32>
    %eq3A_1162 = vector.broadcast %broadcast_in_dim3A_1161 : vector<256x1xf32> to vector<256x2048xf32>
    %eq3A_1163 = arith.cmpf oeq, %get3A_1158, %eq3A_1162 : vector<256x2048xf32>
    %jit3A_1164 = arith.constant 1073741824 : i32
    %broadcast_in_dim3A_1165 = vector.broadcast %jit3A_1164 : i32 to vector<256x2048xi32>
    %select_n3A_1166 = arith.select %eq3A_1163, %iota3A, %broadcast_in_dim3A_1165 : vector<256x2048xi1>, vector<256x2048xi32>
    %reduce_min3A_1167 = arith.constant dense<2147483647> : vector<256xi32>
    %reduce_min3A_1168 = vector.multi_reduction <minsi>, %select_n3A_1166, %reduce_min3A_1167 [1] : vector<256x2048xi32> to vector<256xi32>
    %broadcast_in_dim3A_1169 = vector.shape_cast %reduce_min3A_1168 : vector<256xi32> to vector<256x1xi32>
    %swap3A_1170 = arith.constant 0 : index
    %swap3A_1171 = arith.constant 41 : index
    %swap3A_1172 = vector.load %arg2[%swap3A_1170, %swap3A_1171] : memref<256x56xf32, #tpu.memory_space<vmem>>, vector<256x1xf32>
    tpu.vector_store %arg2[%swap3A_1170, %swap3A_1171], %broadcast_in_dim3A_1161 {strides = array<i32>} : memref<256x56xf32, #tpu.memory_space<vmem>>, vector<256x1xf32>,
    %swap3A_1173 = arith.constant 0 : index
    %swap3A_1174 = arith.constant 41 : index
    %swap3A_1175 = vector.load %arg3[%swap3A_1173, %swap3A_1174] : memref<256x56xi32, #tpu.memory_space<vmem>>, vector<256x1xi32>
    tpu.vector_store %arg3[%swap3A_1173, %swap3A_1174], %broadcast_in_dim3A_1169 {strides = array<i32>} : memref<256x56xi32, #tpu.memory_space<vmem>>, vector<256x1xi32>,
    %eq3A_1176 = vector.broadcast %broadcast_in_dim3A_1169 : vector<256x1xi32> to vector<256x2048xi32>
    %eq3A_1177 = arith.cmpi eq, %iota3A, %eq3A_1176 : vector<256x2048xi32>
    %jit3A_1178 = arith.constant 0xFF800000 : f32
    %broadcast_in_dim3A_1179 = vector.broadcast %jit3A_1178 : f32 to vector<256x2048xf32>
    %select_n3A_1180 = arith.select %eq3A_1177, %broadcast_in_dim3A_1179, %get3A_1158 : vector<256x2048xi1>, vector<256x2048xf32>
    %swap3A_1181 = arith.constant 0 : index
    %swap3A_1182 = arith.constant 0 : index
    %swap3A_1183 = vector.load %arg4[%swap3A_1181, %swap3A_1182] : memref<256x2048xf32, #tpu.memory_space<vmem>>, vector<256x2048xf32>
    tpu.vector_store %arg4[%swap3A_1181, %swap3A_1182], %select_n3A_1180 {strides = array<i32>} : memref<256x2048xf32, #tpu.memory_space<vmem>>, vector<256x2048xf32>,
    %get3A_1184 = arith.constant 0 : index
    %get3A_1185 = arith.constant 0 : index
    %get3A_1186 = vector.load %arg4[%get3A_1184, %get3A_1185] : memref<256x2048xf32, #tpu.memory_space<vmem>>, vector<256x2048xf32>
    %reduce_max3A_1187 = arith.constant dense<0xFF800000> : vector<256xf32>
    %reduce_max3A_1188 = vector.multi_reduction <maximumf>, %get3A_1186, %reduce_max3A_1187 [1] : vector<256x2048xf32> to vector<256xf32>
    %broadcast_in_dim3A_1189 = vector.shape_cast %reduce_max3A_1188 : vector<256xf32> to vector<256x1xf32>
    %eq3A_1190 = vector.broadcast %broadcast_in_dim3A_1189 : vector<256x1xf32> to vector<256x2048xf32>
    %eq3A_1191 = arith.cmpf oeq, %get3A_1186, %eq3A_1190 : vector<256x2048xf32>
    %jit3A_1192 = arith.constant 1073741824 : i32
    %broadcast_in_dim3A_1193 = vector.broadcast %jit3A_1192 : i32 to vector<256x2048xi32>
    %select_n3A_1194 = arith.select %eq3A_1191, %iota3A, %broadcast_in_dim3A_1193 : vector<256x2048xi1>, vector<256x2048xi32>
    %reduce_min3A_1195 = arith.constant dense<2147483647> : vector<256xi32>
    %reduce_min3A_1196 = vector.multi_reduction <minsi>, %select_n3A_1194, %reduce_min3A_1195 [1] : vector<256x2048xi32> to vector<256xi32>
    %broadcast_in_dim3A_1197 = vector.shape_cast %reduce_min3A_1196 : vector<256xi32> to vector<256x1xi32>
    %swap3A_1198 = arith.constant 0 : index
    %swap3A_1199 = arith.constant 42 : index
    %swap3A_1200 = vector.load %arg2[%swap3A_1198, %swap3A_1199] : memref<256x56xf32, #tpu.memory_space<vmem>>, vector<256x1xf32>
    tpu.vector_store %arg2[%swap3A_1198, %swap3A_1199], %broadcast_in_dim3A_1189 {strides = array<i32>} : memref<256x56xf32, #tpu.memory_space<vmem>>, vector<256x1xf32>,
    %swap3A_1201 = arith.constant 0 : index
    %swap3A_1202 = arith.constant 42 : index
    %swap3A_1203 = vector.load %arg3[%swap3A_1201, %swap3A_1202] : memref<256x56xi32, #tpu.memory_space<vmem>>, vector<256x1xi32>
    tpu.vector_store %arg3[%swap3A_1201, %swap3A_1202], %broadcast_in_dim3A_1197 {strides = array<i32>} : memref<256x56xi32, #tpu.memory_space<vmem>>, vector<256x1xi32>,
    %eq3A_1204 = vector.broadcast %broadcast_in_dim3A_1197 : vector<256x1xi32> to vector<256x2048xi32>
    %eq3A_1205 = arith.cmpi eq, %iota3A, %eq3A_1204 : vector<256x2048xi32>
    %jit3A_1206 = arith.constant 0xFF800000 : f32
    %broadcast_in_dim3A_1207 = vector.broadcast %jit3A_1206 : f32 to vector<256x2048xf32>
    %select_n3A_1208 = arith.select %eq3A_1205, %broadcast_in_dim3A_1207, %get3A_1186 : vector<256x2048xi1>, vector<256x2048xf32>
    %swap3A_1209 = arith.constant 0 : index
    %swap3A_1210 = arith.constant 0 : index
    %swap3A_1211 = vector.load %arg4[%swap3A_1209, %swap3A_1210] : memref<256x2048xf32, #tpu.memory_space<vmem>>, vector<256x2048xf32>
    tpu.vector_store %arg4[%swap3A_1209, %swap3A_1210], %select_n3A_1208 {strides = array<i32>} : memref<256x2048xf32, #tpu.memory_space<vmem>>, vector<256x2048xf32>,
    %get3A_1212 = arith.constant 0 : index
    %get3A_1213 = arith.constant 0 : index
    %get3A_1214 = vector.load %arg4[%get3A_1212, %get3A_1213] : memref<256x2048xf32, #tpu.memory_space<vmem>>, vector<256x2048xf32>
    %reduce_max3A_1215 = arith.constant dense<0xFF800000> : vector<256xf32>
    %reduce_max3A_1216 = vector.multi_reduction <maximumf>, %get3A_1214, %reduce_max3A_1215 [1] : vector<256x2048xf32> to vector<256xf32>
    %broadcast_in_dim3A_1217 = vector.shape_cast %reduce_max3A_1216 : vector<256xf32> to vector<256x1xf32>
    %eq3A_1218 = vector.broadcast %broadcast_in_dim3A_1217 : vector<256x1xf32> to vector<256x2048xf32>
    %eq3A_1219 = arith.cmpf oeq, %get3A_1214, %eq3A_1218 : vector<256x2048xf32>
    %jit3A_1220 = arith.constant 1073741824 : i32
    %broadcast_in_dim3A_1221 = vector.broadcast %jit3A_1220 : i32 to vector<256x2048xi32>
    %select_n3A_1222 = arith.select %eq3A_1219, %iota3A, %broadcast_in_dim3A_1221 : vector<256x2048xi1>, vector<256x2048xi32>
    %reduce_min3A_1223 = arith.constant dense<2147483647> : vector<256xi32>
    %reduce_min3A_1224 = vector.multi_reduction <minsi>, %select_n3A_1222, %reduce_min3A_1223 [1] : vector<256x2048xi32> to vector<256xi32>
    %broadcast_in_dim3A_1225 = vector.shape_cast %reduce_min3A_1224 : vector<256xi32> to vector<256x1xi32>
    %swap3A_1226 = arith.constant 0 : index
    %swap3A_1227 = arith.constant 43 : index
    %swap3A_1228 = vector.load %arg2[%swap3A_1226, %swap3A_1227] : memref<256x56xf32, #tpu.memory_space<vmem>>, vector<256x1xf32>
    tpu.vector_store %arg2[%swap3A_1226, %swap3A_1227], %broadcast_in_dim3A_1217 {strides = array<i32>} : memref<256x56xf32, #tpu.memory_space<vmem>>, vector<256x1xf32>,
    %swap3A_1229 = arith.constant 0 : index
    %swap3A_1230 = arith.constant 43 : index
    %swap3A_1231 = vector.load %arg3[%swap3A_1229, %swap3A_1230] : memref<256x56xi32, #tpu.memory_space<vmem>>, vector<256x1xi32>
    tpu.vector_store %arg3[%swap3A_1229, %swap3A_1230], %broadcast_in_dim3A_1225 {strides = array<i32>} : memref<256x56xi32, #tpu.memory_space<vmem>>, vector<256x1xi32>,
    %eq3A_1232 = vector.broadcast %broadcast_in_dim3A_1225 : vector<256x1xi32> to vector<256x2048xi32>
    %eq3A_1233 = arith.cmpi eq, %iota3A, %eq3A_1232 : vector<256x2048xi32>
    %jit3A_1234 = arith.constant 0xFF800000 : f32
    %broadcast_in_dim3A_1235 = vector.broadcast %jit3A_1234 : f32 to vector<256x2048xf32>
    %select_n3A_1236 = arith.select %eq3A_1233, %broadcast_in_dim3A_1235, %get3A_1214 : vector<256x2048xi1>, vector<256x2048xf32>
    %swap3A_1237 = arith.constant 0 : index
    %swap3A_1238 = arith.constant 0 : index
    %swap3A_1239 = vector.load %arg4[%swap3A_1237, %swap3A_1238] : memref<256x2048xf32, #tpu.memory_space<vmem>>, vector<256x2048xf32>
    tpu.vector_store %arg4[%swap3A_1237, %swap3A_1238], %select_n3A_1236 {strides = array<i32>} : memref<256x2048xf32, #tpu.memory_space<vmem>>, vector<256x2048xf32>,
    %get3A_1240 = arith.constant 0 : index
    %get3A_1241 = arith.constant 0 : index
    %get3A_1242 = vector.load %arg4[%get3A_1240, %get3A_1241] : memref<256x2048xf32, #tpu.memory_space<vmem>>, vector<256x2048xf32>
    %reduce_max3A_1243 = arith.constant dense<0xFF800000> : vector<256xf32>
    %reduce_max3A_1244 = vector.multi_reduction <maximumf>, %get3A_1242, %reduce_max3A_1243 [1] : vector<256x2048xf32> to vector<256xf32>
    %broadcast_in_dim3A_1245 = vector.shape_cast %reduce_max3A_1244 : vector<256xf32> to vector<256x1xf32>
    %eq3A_1246 = vector.broadcast %broadcast_in_dim3A_1245 : vector<256x1xf32> to vector<256x2048xf32>
    %eq3A_1247 = arith.cmpf oeq, %get3A_1242, %eq3A_1246 : vector<256x2048xf32>
    %jit3A_1248 = arith.constant 1073741824 : i32
    %broadcast_in_dim3A_1249 = vector.broadcast %jit3A_1248 : i32 to vector<256x2048xi32>
    %select_n3A_1250 = arith.select %eq3A_1247, %iota3A, %broadcast_in_dim3A_1249 : vector<256x2048xi1>, vector<256x2048xi32>
    %reduce_min3A_1251 = arith.constant dense<2147483647> : vector<256xi32>
    %reduce_min3A_1252 = vector.multi_reduction <minsi>, %select_n3A_1250, %reduce_min3A_1251 [1] : vector<256x2048xi32> to vector<256xi32>
    %broadcast_in_dim3A_1253 = vector.shape_cast %reduce_min3A_1252 : vector<256xi32> to vector<256x1xi32>
    %swap3A_1254 = arith.constant 0 : index
    %swap3A_1255 = arith.constant 44 : index
    %swap3A_1256 = vector.load %arg2[%swap3A_1254, %swap3A_1255] : memref<256x56xf32, #tpu.memory_space<vmem>>, vector<256x1xf32>
    tpu.vector_store %arg2[%swap3A_1254, %swap3A_1255], %broadcast_in_dim3A_1245 {strides = array<i32>} : memref<256x56xf32, #tpu.memory_space<vmem>>, vector<256x1xf32>,
    %swap3A_1257 = arith.constant 0 : index
    %swap3A_1258 = arith.constant 44 : index
    %swap3A_1259 = vector.load %arg3[%swap3A_1257, %swap3A_1258] : memref<256x56xi32, #tpu.memory_space<vmem>>, vector<256x1xi32>
    tpu.vector_store %arg3[%swap3A_1257, %swap3A_1258], %broadcast_in_dim3A_1253 {strides = array<i32>} : memref<256x56xi32, #tpu.memory_space<vmem>>, vector<256x1xi32>,
    %eq3A_1260 = vector.broadcast %broadcast_in_dim3A_1253 : vector<256x1xi32> to vector<256x2048xi32>
    %eq3A_1261 = arith.cmpi eq, %iota3A, %eq3A_1260 : vector<256x2048xi32>
    %jit3A_1262 = arith.constant 0xFF800000 : f32
    %broadcast_in_dim3A_1263 = vector.broadcast %jit3A_1262 : f32 to vector<256x2048xf32>
    %select_n3A_1264 = arith.select %eq3A_1261, %broadcast_in_dim3A_1263, %get3A_1242 : vector<256x2048xi1>, vector<256x2048xf32>
    %swap3A_1265 = arith.constant 0 : index
    %swap3A_1266 = arith.constant 0 : index
    %swap3A_1267 = vector.load %arg4[%swap3A_1265, %swap3A_1266] : memref<256x2048xf32, #tpu.memory_space<vmem>>, vector<256x2048xf32>
    tpu.vector_store %arg4[%swap3A_1265, %swap3A_1266], %select_n3A_1264 {strides = array<i32>} : memref<256x2048xf32, #tpu.memory_space<vmem>>, vector<256x2048xf32>,
    %get3A_1268 = arith.constant 0 : index
    %get3A_1269 = arith.constant 0 : index
    %get3A_1270 = vector.load %arg4[%get3A_1268, %get3A_1269] : memref<256x2048xf32, #tpu.memory_space<vmem>>, vector<256x2048xf32>
    %reduce_max3A_1271 = arith.constant dense<0xFF800000> : vector<256xf32>
    %reduce_max3A_1272 = vector.multi_reduction <maximumf>, %get3A_1270, %reduce_max3A_1271 [1] : vector<256x2048xf32> to vector<256xf32>
    %broadcast_in_dim3A_1273 = vector.shape_cast %reduce_max3A_1272 : vector<256xf32> to vector<256x1xf32>
    %eq3A_1274 = vector.broadcast %broadcast_in_dim3A_1273 : vector<256x1xf32> to vector<256x2048xf32>
    %eq3A_1275 = arith.cmpf oeq, %get3A_1270, %eq3A_1274 : vector<256x2048xf32>
    %jit3A_1276 = arith.constant 1073741824 : i32
    %broadcast_in_dim3A_1277 = vector.broadcast %jit3A_1276 : i32 to vector<256x2048xi32>
    %select_n3A_1278 = arith.select %eq3A_1275, %iota3A, %broadcast_in_dim3A_1277 : vector<256x2048xi1>, vector<256x2048xi32>
    %reduce_min3A_1279 = arith.constant dense<2147483647> : vector<256xi32>
    %reduce_min3A_1280 = vector.multi_reduction <minsi>, %select_n3A_1278, %reduce_min3A_1279 [1] : vector<256x2048xi32> to vector<256xi32>
    %broadcast_in_dim3A_1281 = vector.shape_cast %reduce_min3A_1280 : vector<256xi32> to vector<256x1xi32>
    %swap3A_1282 = arith.constant 0 : index
    %swap3A_1283 = arith.constant 45 : index
    %swap3A_1284 = vector.load %arg2[%swap3A_1282, %swap3A_1283] : memref<256x56xf32, #tpu.memory_space<vmem>>, vector<256x1xf32>
    tpu.vector_store %arg2[%swap3A_1282, %swap3A_1283], %broadcast_in_dim3A_1273 {strides = array<i32>} : memref<256x56xf32, #tpu.memory_space<vmem>>, vector<256x1xf32>,
    %swap3A_1285 = arith.constant 0 : index
    %swap3A_1286 = arith.constant 45 : index
    %swap3A_1287 = vector.load %arg3[%swap3A_1285, %swap3A_1286] : memref<256x56xi32, #tpu.memory_space<vmem>>, vector<256x1xi32>
    tpu.vector_store %arg3[%swap3A_1285, %swap3A_1286], %broadcast_in_dim3A_1281 {strides = array<i32>} : memref<256x56xi32, #tpu.memory_space<vmem>>, vector<256x1xi32>,
    %eq3A_1288 = vector.broadcast %broadcast_in_dim3A_1281 : vector<256x1xi32> to vector<256x2048xi32>
    %eq3A_1289 = arith.cmpi eq, %iota3A, %eq3A_1288 : vector<256x2048xi32>
    %jit3A_1290 = arith.constant 0xFF800000 : f32
    %broadcast_in_dim3A_1291 = vector.broadcast %jit3A_1290 : f32 to vector<256x2048xf32>
    %select_n3A_1292 = arith.select %eq3A_1289, %broadcast_in_dim3A_1291, %get3A_1270 : vector<256x2048xi1>, vector<256x2048xf32>
    %swap3A_1293 = arith.constant 0 : index
    %swap3A_1294 = arith.constant 0 : index
    %swap3A_1295 = vector.load %arg4[%swap3A_1293, %swap3A_1294] : memref<256x2048xf32, #tpu.memory_space<vmem>>, vector<256x2048xf32>
    tpu.vector_store %arg4[%swap3A_1293, %swap3A_1294], %select_n3A_1292 {strides = array<i32>} : memref<256x2048xf32, #tpu.memory_space<vmem>>, vector<256x2048xf32>,
    %get3A_1296 = arith.constant 0 : index
    %get3A_1297 = arith.constant 0 : index
    %get3A_1298 = vector.load %arg4[%get3A_1296, %get3A_1297] : memref<256x2048xf32, #tpu.memory_space<vmem>>, vector<256x2048xf32>
    %reduce_max3A_1299 = arith.constant dense<0xFF800000> : vector<256xf32>
    %reduce_max3A_1300 = vector.multi_reduction <maximumf>, %get3A_1298, %reduce_max3A_1299 [1] : vector<256x2048xf32> to vector<256xf32>
    %broadcast_in_dim3A_1301 = vector.shape_cast %reduce_max3A_1300 : vector<256xf32> to vector<256x1xf32>
    %eq3A_1302 = vector.broadcast %broadcast_in_dim3A_1301 : vector<256x1xf32> to vector<256x2048xf32>
    %eq3A_1303 = arith.cmpf oeq, %get3A_1298, %eq3A_1302 : vector<256x2048xf32>
    %jit3A_1304 = arith.constant 1073741824 : i32
    %broadcast_in_dim3A_1305 = vector.broadcast %jit3A_1304 : i32 to vector<256x2048xi32>
    %select_n3A_1306 = arith.select %eq3A_1303, %iota3A, %broadcast_in_dim3A_1305 : vector<256x2048xi1>, vector<256x2048xi32>
    %reduce_min3A_1307 = arith.constant dense<2147483647> : vector<256xi32>
    %reduce_min3A_1308 = vector.multi_reduction <minsi>, %select_n3A_1306, %reduce_min3A_1307 [1] : vector<256x2048xi32> to vector<256xi32>
    %broadcast_in_dim3A_1309 = vector.shape_cast %reduce_min3A_1308 : vector<256xi32> to vector<256x1xi32>
    %swap3A_1310 = arith.constant 0 : index
    %swap3A_1311 = arith.constant 46 : index
    %swap3A_1312 = vector.load %arg2[%swap3A_1310, %swap3A_1311] : memref<256x56xf32, #tpu.memory_space<vmem>>, vector<256x1xf32>
    tpu.vector_store %arg2[%swap3A_1310, %swap3A_1311], %broadcast_in_dim3A_1301 {strides = array<i32>} : memref<256x56xf32, #tpu.memory_space<vmem>>, vector<256x1xf32>,
    %swap3A_1313 = arith.constant 0 : index
    %swap3A_1314 = arith.constant 46 : index
    %swap3A_1315 = vector.load %arg3[%swap3A_1313, %swap3A_1314] : memref<256x56xi32, #tpu.memory_space<vmem>>, vector<256x1xi32>
    tpu.vector_store %arg3[%swap3A_1313, %swap3A_1314], %broadcast_in_dim3A_1309 {strides = array<i32>} : memref<256x56xi32, #tpu.memory_space<vmem>>, vector<256x1xi32>,
    %eq3A_1316 = vector.broadcast %broadcast_in_dim3A_1309 : vector<256x1xi32> to vector<256x2048xi32>
    %eq3A_1317 = arith.cmpi eq, %iota3A, %eq3A_1316 : vector<256x2048xi32>
    %jit3A_1318 = arith.constant 0xFF800000 : f32
    %broadcast_in_dim3A_1319 = vector.broadcast %jit3A_1318 : f32 to vector<256x2048xf32>
    %select_n3A_1320 = arith.select %eq3A_1317, %broadcast_in_dim3A_1319, %get3A_1298 : vector<256x2048xi1>, vector<256x2048xf32>
    %swap3A_1321 = arith.constant 0 : index
    %swap3A_1322 = arith.constant 0 : index
    %swap3A_1323 = vector.load %arg4[%swap3A_1321, %swap3A_1322] : memref<256x2048xf32, #tpu.memory_space<vmem>>, vector<256x2048xf32>
    tpu.vector_store %arg4[%swap3A_1321, %swap3A_1322], %select_n3A_1320 {strides = array<i32>} : memref<256x2048xf32, #tpu.memory_space<vmem>>, vector<256x2048xf32>,
    %get3A_1324 = arith.constant 0 : index
    %get3A_1325 = arith.constant 0 : index
    %get3A_1326 = vector.load %arg4[%get3A_1324, %get3A_1325] : memref<256x2048xf32, #tpu.memory_space<vmem>>, vector<256x2048xf32>
    %reduce_max3A_1327 = arith.constant dense<0xFF800000> : vector<256xf32>
    %reduce_max3A_1328 = vector.multi_reduction <maximumf>, %get3A_1326, %reduce_max3A_1327 [1] : vector<256x2048xf32> to vector<256xf32>
    %broadcast_in_dim3A_1329 = vector.shape_cast %reduce_max3A_1328 : vector<256xf32> to vector<256x1xf32>
    %eq3A_1330 = vector.broadcast %broadcast_in_dim3A_1329 : vector<256x1xf32> to vector<256x2048xf32>
    %eq3A_1331 = arith.cmpf oeq, %get3A_1326, %eq3A_1330 : vector<256x2048xf32>
    %jit3A_1332 = arith.constant 1073741824 : i32
    %broadcast_in_dim3A_1333 = vector.broadcast %jit3A_1332 : i32 to vector<256x2048xi32>
    %select_n3A_1334 = arith.select %eq3A_1331, %iota3A, %broadcast_in_dim3A_1333 : vector<256x2048xi1>, vector<256x2048xi32>
    %reduce_min3A_1335 = arith.constant dense<2147483647> : vector<256xi32>
    %reduce_min3A_1336 = vector.multi_reduction <minsi>, %select_n3A_1334, %reduce_min3A_1335 [1] : vector<256x2048xi32> to vector<256xi32>
    %broadcast_in_dim3A_1337 = vector.shape_cast %reduce_min3A_1336 : vector<256xi32> to vector<256x1xi32>
    %swap3A_1338 = arith.constant 0 : index
    %swap3A_1339 = arith.constant 47 : index
    %swap3A_1340 = vector.load %arg2[%swap3A_1338, %swap3A_1339] : memref<256x56xf32, #tpu.memory_space<vmem>>, vector<256x1xf32>
    tpu.vector_store %arg2[%swap3A_1338, %swap3A_1339], %broadcast_in_dim3A_1329 {strides = array<i32>} : memref<256x56xf32, #tpu.memory_space<vmem>>, vector<256x1xf32>,
    %swap3A_1341 = arith.constant 0 : index
    %swap3A_1342 = arith.constant 47 : index
    %swap3A_1343 = vector.load %arg3[%swap3A_1341, %swap3A_1342] : memref<256x56xi32, #tpu.memory_space<vmem>>, vector<256x1xi32>
    tpu.vector_store %arg3[%swap3A_1341, %swap3A_1342], %broadcast_in_dim3A_1337 {strides = array<i32>} : memref<256x56xi32, #tpu.memory_space<vmem>>, vector<256x1xi32>,
    %eq3A_1344 = vector.broadcast %broadcast_in_dim3A_1337 : vector<256x1xi32> to vector<256x2048xi32>
    %eq3A_1345 = arith.cmpi eq, %iota3A, %eq3A_1344 : vector<256x2048xi32>
    %jit3A_1346 = arith.constant 0xFF800000 : f32
    %broadcast_in_dim3A_1347 = vector.broadcast %jit3A_1346 : f32 to vector<256x2048xf32>
    %select_n3A_1348 = arith.select %eq3A_1345, %broadcast_in_dim3A_1347, %get3A_1326 : vector<256x2048xi1>, vector<256x2048xf32>
    %swap3A_1349 = arith.constant 0 : index
    %swap3A_1350 = arith.constant 0 : index
    %swap3A_1351 = vector.load %arg4[%swap3A_1349, %swap3A_1350] : memref<256x2048xf32, #tpu.memory_space<vmem>>, vector<256x2048xf32>
    tpu.vector_store %arg4[%swap3A_1349, %swap3A_1350], %select_n3A_1348 {strides = array<i32>} : memref<256x2048xf32, #tpu.memory_space<vmem>>, vector<256x2048xf32>,
    %get3A_1352 = arith.constant 0 : index
    %get3A_1353 = arith.constant 0 : index
    %get3A_1354 = vector.load %arg4[%get3A_1352, %get3A_1353] : memref<256x2048xf32, #tpu.memory_space<vmem>>, vector<256x2048xf32>
    %reduce_max3A_1355 = arith.constant dense<0xFF800000> : vector<256xf32>
    %reduce_max3A_1356 = vector.multi_reduction <maximumf>, %get3A_1354, %reduce_max3A_1355 [1] : vector<256x2048xf32> to vector<256xf32>
    %broadcast_in_dim3A_1357 = vector.shape_cast %reduce_max3A_1356 : vector<256xf32> to vector<256x1xf32>
    %eq3A_1358 = vector.broadcast %broadcast_in_dim3A_1357 : vector<256x1xf32> to vector<256x2048xf32>
    %eq3A_1359 = arith.cmpf oeq, %get3A_1354, %eq3A_1358 : vector<256x2048xf32>
    %jit3A_1360 = arith.constant 1073741824 : i32
    %broadcast_in_dim3A_1361 = vector.broadcast %jit3A_1360 : i32 to vector<256x2048xi32>
    %select_n3A_1362 = arith.select %eq3A_1359, %iota3A, %broadcast_in_dim3A_1361 : vector<256x2048xi1>, vector<256x2048xi32>
    %reduce_min3A_1363 = arith.constant dense<2147483647> : vector<256xi32>
    %reduce_min3A_1364 = vector.multi_reduction <minsi>, %select_n3A_1362, %reduce_min3A_1363 [1] : vector<256x2048xi32> to vector<256xi32>
    %broadcast_in_dim3A_1365 = vector.shape_cast %reduce_min3A_1364 : vector<256xi32> to vector<256x1xi32>
    %swap3A_1366 = arith.constant 0 : index
    %swap3A_1367 = arith.constant 48 : index
    %swap3A_1368 = vector.load %arg2[%swap3A_1366, %swap3A_1367] : memref<256x56xf32, #tpu.memory_space<vmem>>, vector<256x1xf32>
    tpu.vector_store %arg2[%swap3A_1366, %swap3A_1367], %broadcast_in_dim3A_1357 {strides = array<i32>} : memref<256x56xf32, #tpu.memory_space<vmem>>, vector<256x1xf32>,
    %swap3A_1369 = arith.constant 0 : index
    %swap3A_1370 = arith.constant 48 : index
    %swap3A_1371 = vector.load %arg3[%swap3A_1369, %swap3A_1370] : memref<256x56xi32, #tpu.memory_space<vmem>>, vector<256x1xi32>
    tpu.vector_store %arg3[%swap3A_1369, %swap3A_1370], %broadcast_in_dim3A_1365 {strides = array<i32>} : memref<256x56xi32, #tpu.memory_space<vmem>>, vector<256x1xi32>,
    %eq3A_1372 = vector.broadcast %broadcast_in_dim3A_1365 : vector<256x1xi32> to vector<256x2048xi32>
    %eq3A_1373 = arith.cmpi eq, %iota3A, %eq3A_1372 : vector<256x2048xi32>
    %jit3A_1374 = arith.constant 0xFF800000 : f32
    %broadcast_in_dim3A_1375 = vector.broadcast %jit3A_1374 : f32 to vector<256x2048xf32>
    %select_n3A_1376 = arith.select %eq3A_1373, %broadcast_in_dim3A_1375, %get3A_1354 : vector<256x2048xi1>, vector<256x2048xf32>
    %swap3A_1377 = arith.constant 0 : index
    %swap3A_1378 = arith.constant 0 : index
    %swap3A_1379 = vector.load %arg4[%swap3A_1377, %swap3A_1378] : memref<256x2048xf32, #tpu.memory_space<vmem>>, vector<256x2048xf32>
    tpu.vector_store %arg4[%swap3A_1377, %swap3A_1378], %select_n3A_1376 {strides = array<i32>} : memref<256x2048xf32, #tpu.memory_space<vmem>>, vector<256x2048xf32>,
    %get3A_1380 = arith.constant 0 : index
    %get3A_1381 = arith.constant 0 : index
    %get3A_1382 = vector.load %arg4[%get3A_1380, %get3A_1381] : memref<256x2048xf32, #tpu.memory_space<vmem>>, vector<256x2048xf32>
    %reduce_max3A_1383 = arith.constant dense<0xFF800000> : vector<256xf32>
    %reduce_max3A_1384 = vector.multi_reduction <maximumf>, %get3A_1382, %reduce_max3A_1383 [1] : vector<256x2048xf32> to vector<256xf32>
    %broadcast_in_dim3A_1385 = vector.shape_cast %reduce_max3A_1384 : vector<256xf32> to vector<256x1xf32>
    %eq3A_1386 = vector.broadcast %broadcast_in_dim3A_1385 : vector<256x1xf32> to vector<256x2048xf32>
    %eq3A_1387 = arith.cmpf oeq, %get3A_1382, %eq3A_1386 : vector<256x2048xf32>
    %jit3A_1388 = arith.constant 1073741824 : i32
    %broadcast_in_dim3A_1389 = vector.broadcast %jit3A_1388 : i32 to vector<256x2048xi32>
    %select_n3A_1390 = arith.select %eq3A_1387, %iota3A, %broadcast_in_dim3A_1389 : vector<256x2048xi1>, vector<256x2048xi32>
    %reduce_min3A_1391 = arith.constant dense<2147483647> : vector<256xi32>
    %reduce_min3A_1392 = vector.multi_reduction <minsi>, %select_n3A_1390, %reduce_min3A_1391 [1] : vector<256x2048xi32> to vector<256xi32>
    %broadcast_in_dim3A_1393 = vector.shape_cast %reduce_min3A_1392 : vector<256xi32> to vector<256x1xi32>
    %swap3A_1394 = arith.constant 0 : index
    %swap3A_1395 = arith.constant 49 : index
    %swap3A_1396 = vector.load %arg2[%swap3A_1394, %swap3A_1395] : memref<256x56xf32, #tpu.memory_space<vmem>>, vector<256x1xf32>
    tpu.vector_store %arg2[%swap3A_1394, %swap3A_1395], %broadcast_in_dim3A_1385 {strides = array<i32>} : memref<256x56xf32, #tpu.memory_space<vmem>>, vector<256x1xf32>,
    %swap3A_1397 = arith.constant 0 : index
    %swap3A_1398 = arith.constant 49 : index
    %swap3A_1399 = vector.load %arg3[%swap3A_1397, %swap3A_1398] : memref<256x56xi32, #tpu.memory_space<vmem>>, vector<256x1xi32>
    tpu.vector_store %arg3[%swap3A_1397, %swap3A_1398], %broadcast_in_dim3A_1393 {strides = array<i32>} : memref<256x56xi32, #tpu.memory_space<vmem>>, vector<256x1xi32>,
    %eq3A_1400 = vector.broadcast %broadcast_in_dim3A_1393 : vector<256x1xi32> to vector<256x2048xi32>
    %eq3A_1401 = arith.cmpi eq, %iota3A, %eq3A_1400 : vector<256x2048xi32>
    %jit3A_1402 = arith.constant 0xFF800000 : f32
    %broadcast_in_dim3A_1403 = vector.broadcast %jit3A_1402 : f32 to vector<256x2048xf32>
    %select_n3A_1404 = arith.select %eq3A_1401, %broadcast_in_dim3A_1403, %get3A_1382 : vector<256x2048xi1>, vector<256x2048xf32>
    %swap3A_1405 = arith.constant 0 : index
    %swap3A_1406 = arith.constant 0 : index
    %swap3A_1407 = vector.load %arg4[%swap3A_1405, %swap3A_1406] : memref<256x2048xf32, #tpu.memory_space<vmem>>, vector<256x2048xf32>
    tpu.vector_store %arg4[%swap3A_1405, %swap3A_1406], %select_n3A_1404 {strides = array<i32>} : memref<256x2048xf32, #tpu.memory_space<vmem>>, vector<256x2048xf32>,
    return
  }
  func.func @transform_0(%arg0: i32) -> (i32, i32) {
    %c0_i32 = arith.constant 0 : i32
    %c0_i32_0 = arith.constant 0 : i32
    return %arg0, %c0_i32 : i32, i32
  }
  func.func @transform_1(%arg0: i32) -> (i32, i32) {
    %c0_i32 = arith.constant 0 : i32
    %c0_i32_0 = arith.constant 0 : i32
    return %arg0, %c0_i32 : i32, i32
  }
  func.func @transform_2(%arg0: i32) -> (i32, i32) {
    %c0_i32 = arith.constant 0 : i32
    %c0_i32_0 = arith.constant 0 : i32
    return %arg0, %c0_i32 : i32, i32
  }
}

</mosaic_0001>

<sc_bundles>
// kernel: kernel.4.cloned.1.call-start
scs
__scs_entry_jumppad:
0x0: {  	(pc) =	sbr.rel $0x88, $3  }
0x1: {  	(tag) =	ssettag $0x0;
	lr =	simm.s32 $0x1  }
0x2: {  	[smem:$0x3F9C] =	sst lr;
	_ =	strace $0xD0000000  }
0x3: {  	_ = 	snop  }
0x4: {  	_ = 	snop  }
0x5: {  	_ = 	snop  }
0x6: {  	_ = 	snop  }
0x7: {  	_ = 	snop  }
__scs_overlays_trampoline_lowered:
0x8: {  	[smem:$0x3FAB] =	sst s0  }
0x9: {  	[smem:$0x3FAC] =	sst s1  }
0xa: {  	[smem:$0x3FAD] =	sst s2  }
0xb: {  	[smem:$0x3FAE] =	sst s3  }
0xc: {  	[smem:$0x3FAF] =	sst s4  }
0xd: {  	[smem:$0x3FB0] =	sst s5  }
0xe: {  	[smem:$0x3FB1] =	sst s6  }
0xf: {  	[smem:$0x3FB2] =	sst s7  }
0x10: {  	[smem:$0x3FB3] =	sst s8  }
0x11: {  	[smem:$0x3FB4] =	sst s9;
	s0 =	simm.s32 @!p0 $0x0  }
0x12: {  	s1 =	sld [smem:$0x3F9A];
	s0 =	simm.s32 @p0 $0x1  }
0x13: {  	[smem:$0x3FB5] =	sst s0;
	s0 =	simm.s32 @!p1 $0x0  }
0x14: {  	s2 =	sld [smem:$0x3F99];
	s0 =	simm.s32 @p1 $0x1  }
0x15: {  	[smem:$0x3FB6] =	sst s0;
	s0 =	simm.s32 @!p2 $0x0  }
0x16: {  	s3 =	sld [smem:$0x3FDB];
	s0 =	simm.s32 @p2 $0x1  }
0x17: {  	s4 =	simm.s32 $0x1BF5;
	[smem:$0x3FB8] =	sst s0  }
0x18: {  	s0 =	sld [smem:$0x3F9B];
	_ =	swait.ge [sflag:s4], $0x0  }
0x19: {  	s7 =	sld [smem:$0x3F9C]  }
0x1a: {  	s8 =	sadd.s32 $0xFFFFE003, lr  }
0x1b: {  	s9 =	sadd.s32 $0xFFFFFEF7, lr;
	s5 =	simm.s32 $0xFFFFFFFF;
	p2 =	slt.u32 s8, $0xFFFFF086  }
0x1c: {  	p1 =	slt.u32 s9, $0xF7A;
	s5 =	simm.s32 @!p2 $0x0  }
0x1d: {  	s5 =	simm.s32 @p1 $0x1;
	p0 =	seq.s32 s7, s2  }
0x1e: {  	s7 =	smul.u32 @!p0 $0xF7A, s2;
	p2 =	seq.s32 @!p0 s5, $0x0  }
0x1f: {  	s9 =	smul.u32 $0xF7A, s1;
	s8 =	simm.s32 @!p0 $0x1BF5;
	p2 =	por !p2, p0  }
0x20: {  	[sflag:s8] =	ssyncset.s32 @!p0 $0xFFFFF086;
	s6 =	sadd.s32 @!p0 s3, s7;
	s7 =	simm.s32 @!p0 $0x108  }
0x21: {  	s3 =	sadd.s32 s3, s9;
	s6 =	sadd.s32 @!p0 $0x88, s6;
	s7 =	simm.s32 @p2 $0x1082  }
0x22: {  	[simem:s7], [sflag:s8] =	dma.local @!p0 [hbm:s6], $0xF7A  }
0x23: {  	s9 =	sor.u32 $0xD0000000, s2;
	s6 =	simm.s32 $0x108;
	_ =	swait.ge @!p0 [sflag:s8], $0x0  }
0x24: {  	s3 =	sadd.s32 $0x88, s3;
	s6 =	simm.s32 @!p1 $0x1082;
	[sflag:s4] =	ssyncset.s32 $0xFFFFF086  }
0x25: {  	[simem:s6], [sflag:s4] =	dma.local [hbm:s3], $0xF7A  }
0x26: {  	[smem:$0x3F9C] =	sst s1;
	(tag) =	ssettag s2;
	_ =	strace s9  }
0x27: {  	s1 =	sld [smem:$0x3FAC]  }
0x28: {  	s2 =	sld [smem:$0x3FAD]  }
0x29: {  	s4 =	sld [smem:$0x3FAF]  }
0x2a: {  	p0 =	seq.s32 s5, $0x0;
	s5 =	sld [smem:$0x3FB0]  }
0x2b: {  	s6 =	sld [smem:$0x3FB1]  }
0x2c: {  	s7 =	sld [smem:$0x3FB2]  }
0x2d: {  	s3 =	simm.s32 $0x108;
	s8 =	sld [smem:$0x3FB3]  }
0x2e: {  	s3 =	simm.s32 @!p0 $0x1082;
	s9 =	sld [smem:$0x3FB4]  }
0x2f: {  	lr =	sadd.s32 s0, s3;
	s0 =	sld [smem:$0x3FAB]  }
0x30: {  	s3 =	sld [smem:$0x3FAE]  }
0x31: {  	[smem:$0x3FB7] =	sst s10  }
0x32: {  	s10 =	sld [smem:$0x3FB5];
	_ =	sdelay $0x3  }
0x33: {  	p0 =	seq.s32 s10, $0x1;
	s10 =	sld [smem:$0x3FB7];
	_ =	sdelay $0x3  }
0x34: {  	[smem:$0x3FB7] =	sst s10  }
0x35: {  	s10 =	sld [smem:$0x3FB6];
	_ =	sdelay $0x3  }
0x36: {  	p1 =	seq.s32 s10, $0x1;
	s10 =	sld [smem:$0x3FB7];
	_ =	sdelay $0x3  }
0x37: {  	[smem:$0x3FB7] =	sst s10  }
0x38: {  	s10 =	sld [smem:$0x3FB8]  }
0x39: {  	_ = 	snop;
	(pc) =	sbr.ind lr, $3  }
0x3a: {  	_ = 	snop  }
0x3b: {  	_ = 	snop  }
0x3c: {  	p2 =	seq.s32 s10, $0x1;
	s10 =	sld [smem:$0x3FB7]  }
0x3d: {  	_ =	shalt  }
0x3e: {  	_ =	shalt  }
0x3f: {  	_ =	shalt  }
0x40: {  	_ =	shalt  }
0x41: {  	_ =	shalt  }
0x42: {  	_ =	shalt  }
0x43: {  	_ =	shalt  }
0x44: {  	_ =	shalt  }
0x45: {  	_ =	shalt  }
0x46: {  	_ =	shalt  }
0x47: {  	_ =	shalt  }
0x48: {  	_ =	shalt  }
0x49: {  	_ =	shalt  }
0x4a: {  	_ =	shalt  }
0x4b: {  	_ =	shalt  }
0x4c: {  	_ =	shalt  }
0x4d: {  	_ =	shalt  }
0x4e: {  	_ =	shalt  }
0x4f: {  	_ =	shalt  }
0x50: {  	_ =	shalt  }
0x51: {  	_ =	shalt  }
0x52: {  	_ =	shalt  }
0x53: {  	_ =	shalt  }
0x54: {  	_ =	shalt  }
0x55: {  	_ =	shalt  }
0x56: {  	_ =	shalt  }
0x57: {  	_ =	shalt  }
0x58: {  	_ =	shalt  }
0x59: {  	_ =	shalt  }
0x5a: {  	_ =	shalt  }
0x5b: {  	_ =	shalt  }
0x5c: {  	_ =	shalt  }
0x5d: {  	_ =	shalt  }
0x5e: {  	_ =	shalt  }
0x5f: {  	_ =	shalt  }
0x60: {  	_ =	shalt  }
0x61: {  	_ =	shalt  }
0x62: {  	_ =	shalt  }
0x63: {  	_ =	shalt  }
0x64: {  	_ =	shalt  }
0x65: {  	_ =	shalt  }
0x66: {  	_ =	shalt  }
0x67: {  	_ =	shalt  }
0x68: {  	_ =	shalt  }
0x69: {  	_ =	shalt  }
0x6a: {  	_ =	shalt  }
0x6b: {  	_ =	shalt  }
0x6c: {  	_ =	shalt  }
0x6d: {  	_ =	shalt  }
0x6e: {  	_ =	shalt  }
0x6f: {  	_ =	shalt  }
0x70: {  	_ =	shalt  }
0x71: {  	_ =	shalt  }
0x72: {  	_ =	shalt  }
0x73: {  	_ =	shalt  }
0x74: {  	_ =	shalt  }
0x75: {  	_ =	shalt  }
0x76: {  	_ =	shalt  }
0x77: {  	_ =	shalt  }
0x78: {  	_ =	shalt  }
0x79: {  	_ =	shalt  }
0x7a: {  	_ =	shalt  }
0x7b: {  	_ =	shalt  }
0x7c: {  	_ =	shalt  }
0x7d: {  	_ =	shalt  }
0x7e: {  	_ =	shalt  }
0x7f: {  	_ =	shalt  }
0x80: {  	_ =	shalt  }
0x81: {  	_ =	shalt  }
0x82: {  	_ =	shalt  }
0x83: {  	_ =	shalt  }
0x84: {  	_ =	shalt  }
0x85: {  	_ =	shalt  }
0x86: {  	_ =	shalt  }
0x87: {  	_ =	shalt  }
.Lfunc_end0:
.L_simem_size_0:
called_computation.1_lowered:
.L_overlay_start_0:
0x88: {  	s2 =	sld [smem:$0x3FD9]  }
0x89: {  	s3 =	sld [smem:$0x3FFE];
	_ =	sdelay $0x1  }
0x8a: {  	s1 =	srdreg.scid  }
0x8b: {  	s0 =	sand.u32 $0x1, s1  }
0x8c: {  	s17 =	sshll.u32 s0, $0xA;
	s2 =	sadd.s32 s3, s2  }
0x8d: {  	s2 =	sadd.s32 s2, s17  }
0x8e: {  	[smem:$0x3FC3] =	sst s2  }
0x8f: {  	_ = 	snop  }
0x90: {  	s2 =	sld [smem:$0x3FD0];
	(tm) =	ssettm $0x1  }
0x91: {  	s18 =	sld [smem:$0x3FFB];
	_ =	sdelay $0x3  }
0x92: {  	_ =	strace s18  }
0x93: {  	s3 =	sld [smem:$0x3FFC];
	_ =	sdelay $0x3  }
0x94: {  	_ =	strace s3  }
0x95: {  	s3 =	sld [smem:$0x3FFD];
	_ =	sdelay $0x3  }
0x96: {  	_ =	strace s3  }
0x97: {  	_ =	strace $0x8FFFFFFF  }
0x98: {  	s19 =	sld [smem:$0x3FDB];
	_ =	sdelay $0x1  }
0x99: {  	s4 =	simm.s32 $_scs_section_size  }
0x9a: {  	s5 =	simm.s32 $_size__tile_overlayer_lowered;
	s6 =	simm.s32 $_tile_overlayer_lowered  }
0x9b: {  	s22 =	simm.s32 $0x1BFF;
	s21 =	sshll.u32 s6, $0x1;
	s3 =	sadd.s32 s4, s19  }
0x9c: {  	s7 =	simm.s32 $0x0;
	s20 =	sshll.u32 s5, $0x1;
	s5 =	sadd.s32 s21, s3  }
0x9d: {  	[timem:s7], [sflag:s22] =	dma.local [hbm:s5], s20  }
0x9e: {  	_ =	swait.ge [sflag:s22], s20  }
0x9f: {  	s4 =	ssub.s32 $0x0, s20;
	[sflag:s22] =	ssyncset.done $0x0  }
0xa0: {  	[sflag:s22] =	ssyncadd.s32 s4;
	_ =	sdelay $0x1  }
0xa1: {  	s23 =	simm.s32 $0x1B8B  }
0xa2: {  	_ =	swait.ge [sflag:s23], $0x1  }
0xa3: {  	[sflag:s23] =	ssyncset.done $0x0  }
0xa4: {  	s25 =	simm.s32 $0x1B8E;
	s24 =	sld [smem:$0x3FFE];
	[sflag:s23] =	ssyncadd.s32 $0xFFFFFFFF  }
0xa5: {  	s26 =	simm.s32 $execute0_lowered;
	[smem:$0x3FD2] =	sst s25  }
0xa6: {  	s5 =	sshll.u32 s26, $0x1;
	_ =	strace $0x80000049;
	[dreg:$0x1] =	wrdreg $0xFFFFFFFF  }
0xa7: {  	s28 =	simm.s32 $_size_execute0_lowered;
	s3 =	sadd.s32 s3, s5;
	[dreg:$0x0] =	wrdreg $0x0  }
0xa8: {  	s5 =	sshll.u32 s28, $0x1;
	[dreg:$0x2] =	wrdreg s3  }
0xa9: {  	[dreg:$0x3] =	wrdreg s5  }
0xaa: {  	[dreg:$0x4] =	wrdreg $0xC0  }
0xab: {  	_ =	task [dreg:s7], $0x5FFFF  }
0xac: {  	[dreg:$0x1] =	wrdreg $0xFFFFFFFF  }
0xad: {  	[dreg:$0x0] =	wrdreg $0x60  }
0xae: {  	[dreg:$0x2] =	wrdreg s24  }
0xaf: {  	[dreg:$0x3] =	wrdreg s2  }
0xb0: {  	[dreg:$0x4] =	wrdreg $0x9  }
0xb1: {  	_ =	task.clear_ibuf [dreg:s7], $0x5FFFF;
	_ =	strace $0x90000049  }
0xb2: {  	s29 =	simm.s32 $0x9;
	_ =	strace $0x8000004B  }
0xb3: {  	_ =	swait.ge [sflag:s29], $0x1  }
0xb4: {  	[sflag:s29] =	ssyncadd.s32 $0xFFFFFFFF  }
0xb5: {  	_ =	strace $0x9000004B  }
0xb6: {  	_ =	sfence  }
0xb7: {  	s30 =	sld [smem:$0x0];
	_ =	sdelay $0x2  }
0xb8: {  	s31 =	sshll.u32 s1, $0xD;
	s1 =	sshrl.u32 s1, $0x2  }
0xb9: {  	s3 =	sand.u32 $0x4000, s31;
	s1 =	sadd.s32 s1, s30  }
0xba: {  	s0 =	sor.u32 s3, s0;
	s1 =	sshll.u32 s1, $0x11  }
0xbb: {  	s0 =	sor.u32 s1, s0  }
0xbc: {  	s0 =	sadd.s32 $0x8F2B, s0  }
0xbd: {  	[sflag:s0] =	ssyncadd.remote.s32 $0x1  }
0xbe: {  	_ =	sfence.sel $0xFFFF  }
0xbf: {  	[dreg:$0x0] =	wrdreg $0xFFFFFFFF;
	(pc) =	sbr.abs _section_cstart, $3  }
0xc0: {  	[dreg:$0x1] =	wrdreg $0xFFFFFFFF  }
0xc1: {  	_ =	task.clear_ibuf [dreg:s7], $0x2FFFF;
	_ =	strace $0x9FFFFFFF  }
0xc2: {  	(tm) =	ssettm $0x7FFFFFFF  }
0xc3: {  	_ =	shalt  }
tec
execute0_lowered:
.L_overlay_start_1:
0x0: {  	(tag) =	ssettag $0x1  }
0x1: {  	s0 =	rddreg [dreg:$0x0]  }
0x2: {  	s1 =	rddreg [dreg:$0x1];
	s2 =	srdreg.scid  }
0x3: {  	s3 =	stileid.u32;
	s12 =	simm.s32 $0x5;
	s13 =	simm.s32 $0x100  }
0x4: {  	s14 =	simm.s32 $0x200;
	s15 =	simm.s32 $0x300;
	s16 =	simm.s32 $0x500  }
0x5: {  	s17 =	simm.s32 $0x3800;
	s18 =	simm.s32 $0x600;
	s19 =	simm.s32 $0xAE00  }
0x6: {  	s20 =	simm.s32 $0x2;
	s21 =	simm.s32 $0x3E00;
	s22 =	simm.s32 $0x3  }
0x7: {  	s23 =	simm.s32 $0x4;
	s24 =	simm.s32 $0x1;
	s25 =	simm.s32 $0x11E00  }
0x8: {  	s26 =	simm.s32 $0x0;
	s5 =	sand.u32 $0x1, s2;
	s2 =	simm.s32 $0x0  }
0x9: {  	s3 =	sshll.u32 s3, $0x6;
	s6 =	sadd.s32 $0x808200, s0;
	s4 =	sshll.u32 s5, $0x5  }
0xa: {  	[smem:$0x7FF] =	sst s2;
	s7 =	ssub.s32 $0x2, s5;
	s5 =	sadd.s32 $0x401200, s0  }
0xb: {  	s10 =	sor.u32 s4, s3;
	_ =	strace $0x8000004A;
	s3 =	sadd.s32 $0x801200, s0  }
0xc: {  	s4 =	sadd.s32 $0x804A00, s0;
	s31 =	sshrl.u32 s7, $0x1;
	s9 =	sadd.s32 s10, s0  }
0xd: {  	s0 =	ssub.s32 s7, s31;
	s10 =	sadd.s32 s1, s10;
	s7 =	sadd.s32 $0x848600, s9  }
0xe: {  	s8 =	sadd.s32 $0x848200, s9;
	s9 =	sadd.s32 $0x848A00, s9;
	s11 =	smax.u32 s0, $0x1  }
.LBB2_1:
0xf: {  	[tilespmem:s2], [sflag:$0x5] =	stream.linear.gather [hbm4b:s7+s2], $0x100, $0x38;
	[tilespmem:$0x11F00] =	vst v63  }
0x10: {  	_ =	swait.ge [sflag:s12], $0x100  }
0x11: {  	[sflag:s12] =	ssyncset.done $0x0  }
0x12: {  	[sflag:s12] =	ssyncadd.s32 $0xFFFFFF00  }
0x13: {  	[tilespmem:s13], [sflag:$0x5] =	stream.linear.gather [hbm4b:s8+s2], $0x100, $0x38;
	[tilespmem:$0x11F00] =	vst v63  }
0x14: {  	_ =	swait.ge [sflag:s12], $0x100  }
0x15: {  	[sflag:s12] =	ssyncset.done $0x0  }
0x16: {  	[sflag:s12] =	ssyncadd.s32 $0xFFFFFF00  }
0x17: {  	[tilespmem:s14], [sflag:$0x5] =	stream.linear.gather [hbm4b:s9+s2], $0x100, $0x38;
	[tilespmem:$0x11F00] =	vst v63  }
0x18: {  	_ =	swait.ge [sflag:s12], $0x100  }
0x19: {  	[sflag:s12] =	ssyncset.done $0x0  }
0x1a: {  	s28 =	simm.s32 $0x0;
	[sflag:s12] =	ssyncadd.s32 $0xFFFFFF00  }
0x1b: {  	v1 =	vld [tilespmem:s28+$0x200]  }
0x1c: {  	v0 =	vld [tilespmem:s28+$0x100]  }
0x1d: {  	v2 =	vld [tilespmem:s28+$0x0]  }
0x1e: {  	s29 =	simm.s32 $0x40  }
.LBB2_2:
0x1f: {  	p0 =	sne.s32 s29, $0x3C0  }
.Ltmp0:
0x20: {  	s0 =	sshra.s32 s29, $0x2;
	s29 =	sadd.s32 $0x40, s29;
	v3 =	vshll.u32 v1, $0xA;
	(pc) =	sbr.rel @p0 .LBB2_2-.Ltmp0, $4  }
0x21: {  	v1 =	vld [tilespmem:s0+$0x200];
	v3 =	vadd.s32 v0, v3;
	v4 =	vmov v0  }
0x22: {  	v0 =	vld [tilespmem:s0+$0x100];
	v5 =	vshll.u32 v2, $0xA;
	[tilespmem:s28+$0x400] =	vst v3  }
0x23: {  	v2 =	vld [tilespmem:s0+$0x0];
	v3 =	vadd.s32 v4, v5  }
0x24: {  	[tilespmem:s28+$0x300] =	vst v3;
	s28 =	smov.u32 s0  }
0x25: {  	_ =	sdelay $0x1  }
0x26: {  	v1 =	vshll.u32 v1, $0xA  }
0x27: {  	v1 =	vadd.s32 v0, v1;
	v2 =	vshll.u32 v2, $0xA  }
0x28: {  	s29 =	simm.s32 $0x0;
	[tilespmem:s28+$0x400] =	vst v1;
	v63 =	vadd.s32 v0, v2  }
0x29: {  	s30 =	simm.s32 $0x0;
	s31 =	simm.s32 $0x0;
	[tilespmem:s28+$0x300] =	vst v63;
	s28 =	simm.s32 $0x0  }
0x2a: {  	[tilespmem:s16], [sflag:$0x1] =	stream.indirect.gather [hbm4b:s6+s13], $0x1, s15, s13, $0xb8;
	[tilespmem:$0x11F00] =	vst v63  }
.LBB2_4:
0x2b: {  	s0 =	sshll.u32 s31, $0x4  }
0x2c: {  	v0 =	vld [tilespmem:s0+$0x0];
	_ =	sdelay $0x2  }
0x2d: {  	s1 =	sand.u32 $0x7, s29;
	s0 =	sshll.u32 s30, $0x2  }
0x2e: {  	s1 =	sshll.u32 s1, $0x6;
	s0 =	sand.u32 $0xFFFFFE00, s0  }
0x2f: {  	s0 =	sor.u32 s1, s0;
	v0 =	vmul.u32 $0x38, v0  }
0x30: {  	s0 =	sshrl.u32 s0, $0x2  }
0x31: {  	s0 =	sadd.s32 $0x600, s0;
	v1 =	vadd.s32 s28, v0  }
0x32: {  	s1 =	simm.s32 $0x1;
	[tilespmem:s0+$0x0] =	vst v1  }
.LBB2_5:
0x33: {  	p0 =	sne.s32 s1, $0x37  }
.Ltmp1:
0x34: {  	_ = 	snop;
	(pc) =	sbr.rel @p0 .LBB2_5-.Ltmp1, $3  }
0x35: {  	_ =	sdelay $0x1  }
0x36: {  	v1 =	vadd.s32 s1, v0;
	s1 =	sadd.s32 $0x1, s1;
	s0 =	sadd.s32 $0x100, s0  }
0x37: {  	[tilespmem:s0+$0x0] =	vst v1  }
0x38: {  	s31 =	sadd.s32 $0x1, s31  }
0x39: {  	p0 =	sne.s32 s31, $0x10  }
.Ltmp2:
0x3a: {  	_ = 	snop;
	(pc) =	sbr.rel @p0 .LBB2_4-.Ltmp2, $2  }
0x3b: {  	_ =	sdelay $0x2  }
0x3c: {  	s30 =	sadd.s32 $0x10, s30;
	s29 =	sadd.s32 $0x1, s29  }
0x3d: {  	s28 =	simm.s32 $0x7600  }
0x3e: {  	[tilespmem:s28], [sflag:$0x2] =	stream.indirect.gather [hbm4b:s4+s17], $0x1, s18, s17, $0xb8;
	[tilespmem:$0x11F00] =	vst v63  }
0x3f: {  	_ = 	snop  }
0x40: {  	[tilespmem:s19], [sflag:$0x3] =	stream.indirect.gather [hbm4b:s3+s17], $0x1, s18, s17, $0xb8;
	[tilespmem:$0x11F00] =	vst v63  }
0x41: {  	_ =	swait.ge [sflag:s20], $0x3800  }
0x42: {  	[sflag:s20] =	ssyncset.done $0x0  }
0x43: {  	s29 =	simm.s32 $0x0;
	s30 =	simm.s32 $0x3E00;
	[sflag:s20] =	ssyncadd.s32 $0xFFFFC800  }
.LBB2_8:
0x44: {  	v2 =	vmov s28;
	_ =	sdelay $0x2  }
0x45: {  	s0 =	sshll.u32 s29, $0x4  }
0x46: {  	v1 =	vmov s30;
	s31 =	simm.s32 $0x0;
	v0 =	vld [tilespmem:s0+$0x400];
	s0 =	simm.s32 $0x400  }
.LBB2_9:
0x47: {  	p0 =	sne.s32 s0, $0xDC00;
	v3 =	vld.idx.msk [tilespmem:v2+s31+$0x0 ss:$0x1], $0xffff;
	_ =	sdelay $0x3  }
.Ltmp3:
0x48: {  	(pc) =	sbr.rel @p0 .LBB2_9-.Ltmp3, $4  }
0x49: {  	_ = 	snop  }
0x4a: {  	v3 =	vshll.u32 v3, $0xE  }
0x4b: {  	v3 =	vadd.s32 v0, v3  }
0x4c: {  	[tilespmem:v1+s31+$0x0 ss:$0x1] =	vst.idx.msk $0xffff, v3;
	s31 =	sshra.s32 s0, $0x2;
	s0 =	sadd.s32 $0x400, s0  }
0x4d: {  	_ =	sdelay $0x3  }
0x4e: {  	v2 =	vld.idx.msk [tilespmem:v2+s31+$0x0 ss:$0x1], $0xffff  }
0x4f: {  	s29 =	sadd.s32 $0x1, s29  }
0x50: {  	p0 =	sne.s32 s29, $0x10  }
.Ltmp4:
0x51: {  	_ = 	snop;
	(pc) =	sbr.rel @p0 .LBB2_8-.Ltmp4, $4  }
0x52: {  	_ = 	snop  }
0x53: {  	v2 =	vshll.u32 v2, $0xE  }
0x54: {  	v0 =	vadd.s32 v0, v2  }
0x55: {  	s28 =	sadd.s32 $0x10, s28;
	s30 =	sadd.s32 $0x10, s30;
	[tilespmem:v1+s31+$0x0 ss:$0x1] =	vst.idx.msk $0xffff, v0  }
0x56: {  	s28 =	simm.s32 $0xE600  }
0x57: {  	[tilespmem:s28], [sflag:$0x4] =	stream.indirect.gather [hbm4b:s5+s17], $0x1, s21, s17, $0xb8;
	[tilespmem:$0x11F00] =	vst v63  }
0x58: {  	_ =	swait.ge [sflag:s22], $0x3800  }
0x59: {  	[sflag:s22] =	ssyncset.done $0x0  }
0x5a: {  	[sflag:s22] =	ssyncadd.s32 $0xFFFFC800  }
0x5b: {  	_ =	swait.ge [sflag:s23], $0x3800  }
0x5c: {  	[sflag:s23] =	ssyncset.done $0x0  }
0x5d: {  	[sflag:s23] =	ssyncadd.s32 $0xFFFFC800  }
0x5e: {  	_ =	swait.ge [sflag:s24], $0x100  }
0x5f: {  	[sflag:s24] =	ssyncset.done $0x0  }
0x60: {  	s29 =	simm.s32 $0x0;
	s30 =	simm.s32 $0xAE00;
	[sflag:s24] =	ssyncadd.s32 $0xFFFFFF00  }
.LBB2_12:
0x61: {  	v2 =	vmov s28  }
0x62: {  	v3 =	vmov s30;
	_ =	sdelay $0x2  }
0x63: {  	s1 =	simm.s32 $0x0  }
0x64: {  	v0 =	vld.idx.msk [tilespmem:v2+s1+$0x0 ss:$0x1], $0xffff  }
0x65: {  	v5 =	vld.idx.msk [tilespmem:v3+s1+$0x0 ss:$0x1], $0xffff;
	_ =	sdelay $0x1  }
0x66: {  	s31 =	sshll.u32 s29, $0x4;
	v4 =	vimm.f32 $0.0e+00;
	s0 =	simm.s32 $0x400;
	v1 =	vimm.f32 $0.0e+00  }
.LBB2_13:
0x67: {  	s1 =	sshra.s32 s0, $0x2;
	p0 =	sne.s32 s0, $0xDC00;
	s0 =	sadd.s32 $0x400, s0  }
.Ltmp5:
0x68: {  	vm0 =	vlt.f32 v0, $1.000000020e+30;
	v6 =	vmov v0;
	v0 =	vld.idx.msk [tilespmem:v2+s1+$0x0 ss:$0x1], $0xffff;
	(pc) =	sbr.rel @p0 .LBB2_13-.Ltmp5, $3  }
0x69: {  	v7 =	vnsel vm0, $0x0, v5;
	v6 =	vnsel vm0, $0x0, v6;
	v5 =	vld.idx.msk [tilespmem:v3+s1+$0x0 ss:$0x1], $0xffff  }
0x6a: {  	v6 =	vmul.f32 v6, v7;
	v4 =	vadd.f32 v7, v4;
	_ =	sdelay $0x1  }
0x6b: {  	v1 =	vadd.f32 v6, v1  }
0x6c: {  	vm0 =	vlt.f32 v0, $1.000000020e+30  }
0x6d: {  	v2 =	vnsel vm0, $0x0, v5  }
0x6e: {  	v3 =	vadd.f32 v2, v4;
	_ =	sdelay $0x1  }
0x6f: {  	vm1 =	vgt.f32 v3, $0.0e+00  }
0x70: {  	v3 =	vnsel vm1, $0x3F800000, v3  }
0x71: {  	(erf) = vrcp.f32 v3;
	_ =	sdelay $0x4  }
0x72: {  	v0 =	vnsel vm0, $0x0, v0  }
0x73: {  	v0 =	vmul.f32 v0, v2;
	_ =	sdelay $0x1  }
0x74: {  	v62 =	vld [tilespmem:s31+$0x500];
	v0 =	vadd.f32 v0, v1  }
0x75: {  	v63 =	vpop (erf)  }
0x76: {  	s29 =	sadd.s32 $0x1, s29;
	v0 =	vmul.f32 v63, v0  }
0x77: {  	p0 =	sne.s32 s29, $0x10  }
.Ltmp6:
0x78: {  	v0 =	vnsel vm1, $0x0, v0;
	(pc) =	sbr.rel @p0 .LBB2_12-.Ltmp6, $3  }
0x79: {  	v0 =	vadd.f32 v62, v0;
	_ =	sdelay $0x1  }
0x7a: {  	v0 =	vmax.f32 v0, $0.0e+00  }
0x7b: {  	s28 =	sadd.s32 $0x10, s28;
	s30 =	sadd.s32 $0x10, s30;
	[tilespmem:s31+$0x11E00] =	vst v0  }
0x7c: {  	s26 =	sadd.s32 $0x1, s26  }
0x7d: {  	p0 =	sne.s32 s26, s11  }
.Ltmp7:
0x7e: {  	_ = 	snop;
	(pc) =	sbr.rel @p0 .LBB2_1-.Ltmp7, $4  }
0x7f: {  	[hbm4b:s10+s2] =	stream.linear.scatter [tilespmem:s25], [sflag:$0x5], $0x100, $0x38;
	[tilespmem:$0x11F00] =	vst v63  }
0x80: {  	_ =	swait.ge [sflag:s12], $0x100  }
0x81: {  	[sflag:s12] =	ssyncset.done $0x0  }
0x82: {  	[sflag:s12] =	ssyncadd.s32 $0xFFFFFF00  }
0x83: {  	_ =	sfence.sel $0x180000  }
0x84: {  	[bflag:$0x0] =	sbarrier.arrive $0xFFFF  }
0x85: {  	_ =	strace $0x9000004A  }
0x86: {  	s0 =	stileid.u32;
	[bflag:$0x2] =	sbarrier.arrive $0xFFFF  }
0x87: {  	p0 =	sne.s32 s0, $0x0;
	s0 =	rddreg [dreg:$0x2]  }
0x88: {  	s0 =	sadd.s32 @!p0 $0x100000, s0  }
0x89: {  	[sflag:s0] =	ssyncadd.tile.s32 @!p0 $0x1;
	_ =	shalt  }
.Lfunc_end2:
_tile_overlayer_lowered:
.L_overlay_start_2:
0x8a: {  	(tag) =	ssettag $0x2  }
0x8b: {  	s0 =	rddreg [dreg:$0x0];
	s2 =	stileid.u32  }
0x8c: {  	s1 =	rddreg [dreg:$0x1];
	p0 =	sne.s32 s2, $0x0  }
0x8d: {  	s3 =	rddreg [dreg:$0x2];
	[bflag:$0x3] =	sbarrier.arrive $0xFFFF;
	s2 =	simm.s32 @!p0 $0x1C05  }
0x8e: {  	[timem:s3], [sflag:s2] =	dma.local @!p0 [hbm:s0], s1  }
0x8f: {  	s0 =	simm.s32 @!p0 $0x5  }
0x90: {  	_ =	swait.ge @!p0 [sflag:s0], s1  }
0x91: {  	s1 =	ssub.s32 @!p0 $0x0, s1;
	[sflag:s0] =	ssyncset.done @!p0 $0x0  }
0x92: {  	[sflag:s0] =	ssyncadd.s32 @!p0 s1  }
0x93: {  	[bflag:$0x3] =	sbarrier.arrive $0xFFFF  }
0x94: {  	_ =	shalt  }

// kernel: sparse-core-data-format-call.cloned.1.call-start
scs
called_computation_lowered:
.L_overlay_start_0:
0x0: {  	s1 =	sld [smem:$0x3FD9]  }
0x1: {  	s2 =	sld [smem:$0x3FFE];
	_ =	sdelay $0x1  }
0x2: {  	s3 =	srdreg.scid  }
0x3: {  	s0 =	sand.u32 $0x1, s3  }
0x4: {  	s17 =	sshll.u32 s0, $0xA;
	s1 =	sadd.s32 s2, s1  }
0x5: {  	s1 =	sadd.s32 s1, s17  }
0x6: {  	[smem:$0x3FC3] =	sst s1  }
0x7: {  	_ = 	snop  }
0x8: {  	(tm) =	ssettm $0x1  }
0x9: {  	s18 =	sld [smem:$0x3FFB];
	_ =	sdelay $0x3  }
0xa: {  	_ =	strace s18  }
0xb: {  	s1 =	sld [smem:$0x3FFC];
	_ =	sdelay $0x3  }
0xc: {  	_ =	strace s1  }
0xd: {  	s1 =	sld [smem:$0x3FFD];
	_ =	sdelay $0x3  }
0xe: {  	_ =	strace s1  }
0xf: {  	_ =	strace $0x8FFFFFFF  }
0x10: {  	s19 =	sld [smem:$0x3FDB];
	_ =	sdelay $0x1  }
0x11: {  	s20 =	simm.s32 $_scs_section_size  }
0x12: {  	s4 =	simm.s32 $_size__tile_overlayer_lowered;
	s5 =	simm.s32 $_tile_overlayer_lowered  }
0x13: {  	s23 =	simm.s32 $0x1BFF;
	s22 =	sshll.u32 s5, $0x1;
	s1 =	sadd.s32 s20, s19  }
0x14: {  	s6 =	simm.s32 $0x0;
	s21 =	sshll.u32 s4, $0x1;
	s4 =	sadd.s32 s22, s1  }
0x15: {  	[timem:s6], [sflag:s23] =	dma.local [hbm:s4], s21  }
0x16: {  	_ =	swait.ge [sflag:s23], s21  }
0x17: {  	s2 =	ssub.s32 $0x0, s21;
	[sflag:s23] =	ssyncset.done $0x0  }
0x18: {  	[sflag:s23] =	ssyncadd.s32 s2;
	_ =	sdelay $0x1  }
0x19: {  	s24 =	simm.s32 $0x1B8B  }
0x1a: {  	_ =	swait.ge [sflag:s24], $0x1  }
0x1b: {  	[sflag:s24] =	ssyncset.done $0x0  }
0x1c: {  	s26 =	simm.s32 $0x1B8E;
	s25 =	sld [smem:$0x3FFE];
	[sflag:s24] =	ssyncadd.s32 $0xFFFFFFFF  }
0x1d: {  	s27 =	simm.s32 $execute0_lowered;
	[smem:$0x3FD2] =	sst s26  }
0x1e: {  	s4 =	sshll.u32 s27, $0x1;
	_ =	strace $0x80000046;
	[dreg:$0x1] =	wrdreg $0xFFFFFFFF  }
0x1f: {  	s28 =	simm.s32 $_size_execute0_lowered;
	s1 =	sadd.s32 s1, s4;
	[dreg:$0x0] =	wrdreg $0x0  }
0x20: {  	s4 =	sshll.u32 s28, $0x1;
	[dreg:$0x2] =	wrdreg s1  }
0x21: {  	[dreg:$0x3] =	wrdreg s4  }
0x22: {  	[dreg:$0x4] =	wrdreg $0xC0  }
0x23: {  	_ =	task [dreg:s6], $0x5FFFF  }
0x24: {  	[dreg:$0x1] =	wrdreg $0xFFFFFFFF  }
0x25: {  	[dreg:$0x0] =	wrdreg $0x60  }
0x26: {  	[dreg:$0x2] =	wrdreg s25  }
0x27: {  	[dreg:$0x3] =	wrdreg $0x9  }
0x28: {  	_ =	task.clear_ibuf [dreg:s6], $0x4FFFF;
	_ =	strace $0x90000046  }
0x29: {  	s29 =	simm.s32 $0x9;
	_ =	strace $0x80000048  }
0x2a: {  	_ =	swait.ge [sflag:s29], $0x1  }
0x2b: {  	[sflag:s29] =	ssyncadd.s32 $0xFFFFFFFF  }
0x2c: {  	_ =	strace $0x90000048  }
0x2d: {  	_ =	sfence  }
0x2e: {  	s30 =	sld [smem:$0x0];
	_ =	sdelay $0x2  }
0x2f: {  	s31 =	sshll.u32 s3, $0xD;
	s3 =	sshrl.u32 s3, $0x2  }
0x30: {  	s2 =	sand.u32 $0x4000, s31;
	s1 =	sadd.s32 s3, s30  }
0x31: {  	s0 =	sor.u32 s2, s0;
	s1 =	sshll.u32 s1, $0x11  }
0x32: {  	s0 =	sor.u32 s1, s0  }
0x33: {  	s0 =	sadd.s32 $0x8F2B, s0  }
0x34: {  	[sflag:s0] =	ssyncadd.remote.s32 $0x1  }
0x35: {  	_ =	sfence.sel $0xFFFF  }
0x36: {  	[dreg:$0x0] =	wrdreg $0xFFFFFFFF;
	(pc) =	sbr.abs _section_cstart, $3  }
0x37: {  	[dreg:$0x1] =	wrdreg $0xFFFFFFFF  }
0x38: {  	_ =	task.clear_ibuf [dreg:s6], $0x2FFFF;
	_ =	strace $0x9FFFFFFF  }
0x39: {  	(tm) =	ssettm $0x7FFFFFFF  }
tec
execute0_lowered:
.L_overlay_start_1:
0x0: {  	(tag) =	ssettag $0x1  }
0x1: {  	s0 =	srdreg.scid  }
0x2: {  	s1 =	sshll.u32 s0, $0x4  }
0x3: {  	s4 =	rddreg [dreg:$0x0];
	s0 =	stileid.u32;
	s1 =	sand.u32 $0x10, s1  }
0x4: {  	s7 =	simm.s32 $0x1;
	s8 =	simm.s32 $0x2;
	s1 =	sor.u32 s0, s1  }
0x5: {  	s9 =	simm.s32 $0x0;
	s12 =	simm.s32 $0x0;
	s2 =	sshll.u32 s1, $0x1  }
0x6: {  	s11 =	simm.s32 $0x0;
	s3 =	sadd.s32 $0x1200, s4;
	s6 =	ssub.s32 $0x1000, s2  }
.Ltmp0:
0x7: {  	s4 =	sadd.s32 $0x401200, s4;
	s5 =	sand.u32 $0x3E, s6;
	(pc) =	sbr.rel .LBB1_1-.Ltmp0, $4  }
0x8: {  	s1 =	rddreg [dreg:$0x1];
	_ =	strace $0x80000047;
	p0 =	sne.s32 s5, $0x0  }
0x9: {  	s6 =	sshrl.u32 s6, $0x6;
	s5 =	simm.s32 $0x1;
	s7 =	simm.s32 @!p0 $0x0  }
0xa: {  	s10 =	smov.u32 s2;
	[sflag:s5] =	ssyncpa.u1 $0x0;
	s6 =	sadd.s32 s7, s6  }
0xb: {  	[sflag:s8] =	ssyncpa.u1 $0x0;
	s8 =	simm.s32 $0x0;
	s7 =	sadd.s32 $0x1, s6  }
.LBB1_9:
0xc: {  	s14 =	sadd.s32 $0x40, s10  }
0xd: {  	p1 =	sgt.s32 s14, $0xFFF  }
0xe: {  	s14 =	smov.u32 @p1 s2;
	p1 =	sne.s32 s11, s7  }
.Ltmp1:
0xf: {  	p0 =	slt.u32 s11, $0x2;
	(pc) =	sbr.rel @!p1 .LBB1_10-.Ltmp1, $4  }
0x10: {  	s13 =	simm.s32 @!p0 $0x2  }
0x11: {  	s15 =	sadd.s32 $0x1, s11;
	_ =	swait.ge @!p0 [sflag:s13], $0x4000  }
0x12: {  	s12 =	smov.u32 s10;
	s9 =	sadd.s32 $0x4000, s9;
	[sflag:s13] =	ssyncset.done @!p0 $0x0  }
0x13: {  	s11 =	smov.u32 s15;
	s10 =	smov.u32 s14;
	[sflag:s13] =	ssyncadd.s32 @!p0 $0xFFFFC000  }
.LBB1_1:
0x14: {  	p0 =	sge.u32 s11, s6  }
0x15: {  	s13 =	sxor.u32 @!p0 $0xFFFFFFFF, s11  }
0x16: {  	s31 =	sadd.s32 $0xFFFFFFFF, s11;
	s14 =	sshll.u32 @!p0 s10, $0xA;
	s13 =	sshll.u32 @!p0 s13, $0xE  }
0x17: {  	s15 =	simm.s32 @!p0 $0x0;
	s14 =	sadd.s32 @!p0 s3, s14;
	s13 =	sand.u32 @!p0 $0x4000, s13  }
0x18: {  	[tilespmem:s13], [sflag:$0x1] =	stream.linear.gather @!p0 [hbm4b:s14+s15], $0x4000, $0x38;
	[tilespmem:$0x10000] =	vst v63  }
0x19: {  	p0 =	sge.u32 s31, s6  }
.Ltmp2:
0x1a: {  	_ = 	snop;
	(pc) =	sbr.rel @p0 .LBB1_9-.Ltmp2, $1  }
0x1b: {  	_ =	sdelay $0x3  }
0x1c: {  	s13 =	sshll.u32 s9, $0x2  }
0x1d: {  	_ =	swait.ge [sflag:s5], $0x4000;
	s14 =	sshll.u32 s11, $0xE;
	s16 =	simm.s32 $0x0  }
0x1e: {  	p1 =	por $0x1, $0x1;
	s13 =	sand.u32 $0x10000, s13;
	[sflag:s5] =	ssyncset.done $0x0  }
0x1f: {  	s14 =	sand.u32 $0x4000, s14;
	s15 =	sshrl.u32 s13, $0x2;
	[sflag:s5] =	ssyncadd.s32 $0xFFFFC000  }
0x20: {  	s13 =	sor.u32 $0x8000, s14;
	s14 =	sadd.s32 $0x8040, s15;
	s15 =	sadd.s32 $0x40, s15  }
.LBB1_3:
0x21: {  	s16 =	sshll.u32 s16, $0x2  }
0x22: {  	p0 =	por p1, p1;
	s17 =	sshra.s32 s16, $0x2  }
0x23: {  	s18 =	simm.s32 $0x0;
	s16 =	sadd.s32 s17, s14;
	s17 =	sadd.s32 s17, s15  }
.LBB1_4:
0x24: {  	v0 =	vmov s17;
	_ =	sdelay $0x3  }
0x25: {  	s20 =	simm.s32 $0x0  }
0x26: {  	v6 =	vld.idx.msk [tilespmem:v0+s20+$0x30 ss:$0x1], $0xffff  }
0x27: {  	v7 =	vld.idx.msk [tilespmem:v0+s20+$0xFFFFFFC0 ss:$0x1], $0xffff  }
0x28: {  	v5 =	vld.idx.msk [tilespmem:v0+s20+$0xFFFFFFD0 ss:$0x1], $0xffff  }
0x29: {  	v4 =	vld.idx.msk [tilespmem:v0+s20+$0xFFFFFFE0 ss:$0x1], $0xffff  }
0x2a: {  	v3 =	vld.idx.msk [tilespmem:v0+s20+$0xFFFFFFF0 ss:$0x1], $0xffff  }
0x2b: {  	v1 =	vld.idx.msk [tilespmem:v0+s20+$0x0 ss:$0x1], $0xffff  }
0x2c: {  	v2 =	vld.idx.msk [tilespmem:v0+s20+$0x10 ss:$0x1], $0xffff;
	[tilespmem:s16+$0x30] =	vst v6  }
0x2d: {  	s19 =	simm.s32 $0x80;
	s21 =	simm.s32 $0x400;
	[tilespmem:s16+$0xFFFFFFC0] =	vst v7;
	v6 =	vld.idx.msk [tilespmem:v0+s20+$0x20 ss:$0x1], $0xffff;
	s20 =	smov.u32 s16  }
.LBB1_5:
0x2e: {  	p1 =	sne.s32 s21, $0xE00;
	v7 =	vld.idx.msk [tilespmem:v0+s19+$0x30 ss:$0x1], $0xffff;
	[tilespmem:s20+$0xFFFFFFD0] =	vst v5  }
0x2f: {  	v8 =	vld.idx.msk [tilespmem:v0+s19+$0xFFFFFFC0 ss:$0x1], $0xffff;
	[tilespmem:s20+$0xFFFFFFE0] =	vst v4  }
0x30: {  	v5 =	vld.idx.msk [tilespmem:v0+s19+$0xFFFFFFD0 ss:$0x1], $0xffff;
	[tilespmem:s20+$0xFFFFFFF0] =	vst v3  }
.Ltmp3:
0x31: {  	v4 =	vld.idx.msk [tilespmem:v0+s19+$0xFFFFFFE0 ss:$0x1], $0xffff;
	[tilespmem:s20+$0x0] =	vst v1;
	(pc) =	sbr.rel @p1 .LBB1_5-.Ltmp3, $4  }
0x32: {  	v3 =	vld.idx.msk [tilespmem:v0+s19+$0xFFFFFFF0 ss:$0x1], $0xffff;
	[tilespmem:s20+$0x10] =	vst v2  }
0x33: {  	v1 =	vld.idx.msk [tilespmem:v0+s19+$0x0 ss:$0x1], $0xffff;
	[tilespmem:s20+$0x20] =	vst v6;
	s20 =	sadd.s32 $0x400, s20  }
0x34: {  	v2 =	vld.idx.msk [tilespmem:v0+s19+$0x10 ss:$0x1], $0xffff;
	[tilespmem:s20+$0x30] =	vst v7  }
0x35: {  	[tilespmem:s20+$0xFFFFFFC0] =	vst v8;
	v6 =	vld.idx.msk [tilespmem:v0+s19+$0x20 ss:$0x1], $0xffff;
	s19 =	sshra.s32 s21, $0x2;
	s21 =	sadd.s32 $0x200, s21  }
0x36: {  	_ =	sdelay $0x2  }
0x37: {  	[tilespmem:s20+$0xFFFFFFD0] =	vst v5  }
0x38: {  	v56 =	vld.idx.msk [tilespmem:v0+s19+$0x30 ss:$0x1], $0xffff;
	[tilespmem:s20+$0xFFFFFFE0] =	vst v4  }
0x39: {  	v57 =	vld.idx.msk [tilespmem:v0+s19+$0xFFFFFFC0 ss:$0x1], $0xffff;
	[tilespmem:s20+$0xFFFFFFF0] =	vst v3  }
0x3a: {  	v58 =	vld.idx.msk [tilespmem:v0+s19+$0xFFFFFFD0 ss:$0x1], $0xffff;
	[tilespmem:s20+$0x0] =	vst v1  }
0x3b: {  	v59 =	vld.idx.msk [tilespmem:v0+s19+$0xFFFFFFE0 ss:$0x1], $0xffff;
	[tilespmem:s20+$0x10] =	vst v2  }
0x3c: {  	v60 =	vld.idx.msk [tilespmem:v0+s19+$0xFFFFFFF0 ss:$0x1], $0xffff;
	s31 =	sadd.s32 $0x400, s20;
	[tilespmem:s20+$0x20] =	vst v6  }
0x3d: {  	v61 =	vld.idx.msk [tilespmem:v0+s19+$0x0 ss:$0x1], $0xffff;
	[tilespmem:s31+$0x30] =	vst v56  }
0x3e: {  	v62 =	vld.idx.msk [tilespmem:v0+s19+$0x10 ss:$0x1], $0xffff;
	s18 =	sadd.s32 $0x1, s18;
	[tilespmem:s31+$0xFFFFFFC0] =	vst v57  }
0x3f: {  	v63 =	vld.idx.msk [tilespmem:v0+s19+$0x20 ss:$0x1], $0xffff;
	p1 =	sne.s32 s18, $0x8;
	[tilespmem:s31+$0xFFFFFFD0] =	vst v58  }
.Ltmp4:
0x40: {  	[tilespmem:s31+$0xFFFFFFE0] =	vst v59;
	(pc) =	sbr.rel @p1 .LBB1_4-.Ltmp4, $4  }
0x41: {  	[tilespmem:s31+$0xFFFFFFF0] =	vst v60  }
0x42: {  	[tilespmem:s31+$0x0] =	vst v61  }
0x43: {  	[tilespmem:s31+$0x10] =	vst v62  }
0x44: {  	s16 =	sadd.s32 $0x80, s16;
	s17 =	sadd.s32 $0x400, s17;
	[tilespmem:s31+$0x20] =	vst v63  }
.Ltmp5:
0x45: {  	(pc) =	sbr.rel @p0 .LBB1_3-.Ltmp5, $2  }
0x46: {  	_ =	sdelay $0x2  }
0x47: {  	s16 =	simm.s32 $0x2000;
	p1 =	por $0x0, $0x0  }
.Ltmp6:
0x48: {  	(pc) =	sbr.rel .LBB1_9-.Ltmp6, $4  }
0x49: {  	_ = 	snop  }
0x4a: {  	s12 =	sshll.u32 s12, $0xA  }
0x4b: {  	s12 =	sadd.s32 s4, s12  }
0x4c: {  	[hbm4b:s12+s8] =	stream.linear.scatter [tilespmem:s13], [sflag:$0x2], $0x4000, $0x38;
	[tilespmem:$0x10000] =	vst v63  }
.LBB1_10:
0x4d: {  	_ =	sfence.sel $0x180000  }
0x4e: {  	s2 =	simm.s32 $0x1;
	[bflag:$0x0] =	sbarrier.arrive $0xFFFF  }
0x4f: {  	s31 =	simm.s32 $0x2;
	[sflag:s2] =	ssyncpa.u1 $0x1  }
0x50: {  	[sflag:s31] =	ssyncpa.u1 $0x1  }
0x51: {  	p0 =	sne.s32 s0, $0x0;
	_ =	strace $0x90000047  }
0x52: {  	s0 =	sadd.s32 @!p0 $0x100000, s1;
	[bflag:$0x2] =	sbarrier.arrive $0xFFFF  }
0x53: {  	[sflag:s0] =	ssyncadd.tile.s32 @!p0 $0x1;
	_ =	shalt  }
.Lfunc_end1:
_tile_overlayer_lowered:
.L_overlay_start_2:
0x54: {  	(tag) =	ssettag $0x2  }
0x55: {  	s0 =	rddreg [dreg:$0x0];
	s2 =	stileid.u32  }
0x56: {  	s1 =	rddreg [dreg:$0x1];
	p0 =	sne.s32 s2, $0x0  }
0x57: {  	s3 =	rddreg [dreg:$0x2];
	[bflag:$0x3] =	sbarrier.arrive $0xFFFF;
	s2 =	simm.s32 @!p0 $0x1C01  }
0x58: {  	[timem:s3], [sflag:s2] =	dma.local @!p0 [hbm:s0], s1  }
0x59: {  	s0 =	simm.s32 @!p0 $0x1  }
0x5a: {  	_ =	swait.ge @!p0 [sflag:s0], s1  }
0x5b: {  	s1 =	ssub.s32 @!p0 $0x0, s1;
	[sflag:s0] =	ssyncset.done @!p0 $0x0  }
0x5c: {  	[sflag:s0] =	ssyncadd.s32 @!p0 s1  }
0x5d: {  	[bflag:$0x3] =	sbarrier.arrive $0xFFFF  }
0x5e: {  	_ =	shalt  }

</sc_bundles>
